<compile_context>
chip_gen: v7x
topology: tpu7x:2x2x1
jax: 0.10.2.dev20260603
libtpu: 0.0.44.dev20260713+nightly
codegen_flags: <defaults>
</compile_context>

<pallas_src>
import functools

import jax
import jax.numpy as jnp
from jax import lax
from jax.experimental import pallas as pl
from jax.experimental.pallas import tpu as pltpu
from jax.experimental.pallas import tpu_sc as plsc

L = 16
CH = 256
M = 6
K = 5
NW = 32


def kernel(hash_ids, offsets, table):
  B, S, H = hash_ids.shape
  V, D = table.shape
  assert H == L
  N = B * S * H
  R = N // NW
  ND = R // CH
  assert R % CH == 0 and ND > M

  mesh = plsc.VectorSubcoreMesh(core_axis_name="c", subcore_axis_name="s")

  @functools.partial(
      pl.kernel,
      out_type=jax.ShapeDtypeStruct((N, D), table.dtype),
      mesh=mesh,
      scratch_types=[
          pltpu.VMEM((R,), jnp.int32),
          pltpu.VMEM((L,), jnp.int32),
          *[pltpu.VMEM((CH, D), jnp.float32) for _ in range(M)],
          *[pltpu.SemaphoreType.DMA for _ in range(M)],
          *[pltpu.SemaphoreType.DMA for _ in range(M)],
      ],
      compiler_params=pltpu.CompilerParams(use_tc_tiling_on_sc=False),
  )
  def run(hash_hbm, off_hbm, table_hbm, out_hbm, idx_v, off_v, *rest):
    rows = rest[:M]
    gsems = rest[M:2 * M]
    ssems = rest[2 * M:]
    wid = lax.axis_index("s") * 2 + lax.axis_index("c")
    base = wid * R
    pltpu.sync_copy(off_hbm, off_v)
    pltpu.sync_copy(hash_hbm.at[pl.ds(base, R)], idx_v)
    off = off_v[...]

    @pl.loop(0, R // (8 * L))
    def shift(g):
      for k in range(8):
        i = g * (8 * L) + k * L
        idx_v[pl.ds(i, L)] = idx_v[pl.ds(i, L)] + off

    def fire(d, b):
      pltpu.async_copy(
          table_hbm.at[idx_v.at[pl.ds(d * CH, CH)]], rows[b], gsems[b])

    def drain(d, b):
      pltpu.make_async_copy(
          table_hbm.at[idx_v.at[pl.ds(d * CH, CH)]], rows[b], gsems[b]).wait()
      pltpu.async_copy(
          rows[b], out_hbm.at[pl.ds(base + d * CH, CH)], ssems[b])

    def wait_store(d, b):
      pltpu.make_async_copy(
          rows[b], out_hbm.at[pl.ds(base + d * CH, CH)], ssems[b]).wait()

    for t in range(K):
      fire(t, t % M)
    for t in range(ND):
      drain(t, t % M)
      n = t + K
      if n < ND:
        if n >= M:
          wait_store(n - M, n % M)
        fire(n, n % M)
    for d in range(max(0, ND - M), ND):
      wait_store(d, d % M)

  out = run(hash_ids.reshape(N), offsets, table)
  return out.reshape(B, S, H, D)

# --- scband reference (transcript-rebuilt; emitter-appended) ---
"""Pipeline reference for scband-engram-op-33827162424004 (READ-ONLY COPY).

The authoritative reference and input builder live on the scoring server;
editing this copy changes nothing except your own understanding.
"""

import jax, jax.numpy as jnp
import numpy as np

B = 4
S = 4096
NUM_HEADS = 16  # (max_ngram_size - 1) * n_head_per_ngram = 2 * 8
PER_HEAD_VOCAB = 100000  # engram_vocab_size per ngram (primes found per head are ~= this; shape-faithful)
D = 64  # n_embed_per_ngram // n_head_per_ngram = 512 // 8
TOTAL_VOCAB = NUM_HEADS * PER_HEAD_VOCAB


def setup_inputs(seed: int = 0) -> dict:
    key = jax.random.key(seed)
    k1, k2 = jax.random.split(key)
    # hashed n-gram ids per head, each in [0, PER_HEAD_VOCAB)
    hash_ids = jax.random.randint(k1, (B, S, NUM_HEADS), 0, PER_HEAD_VOCAB, dtype=jnp.int32)
    # per-head offsets into the concatenated embedding table (MultiHeadEmbedding.offsets buffer)
    offsets = (jnp.arange(NUM_HEADS, dtype=jnp.int32) * PER_HEAD_VOCAB)
    # concatenated multi-head embedding table, init normal(0, 0.02) as in the module
    table = jax.random.normal(k2, (TOTAL_VOCAB, D), dtype=jnp.float32) * 0.02
    return {"hash_ids": hash_ids, "offsets": offsets, "table": table}


def reference(hash_ids, offsets, table):
    # MultiHeadEmbedding.forward: shifted_ids = hash_ids + offsets; embedding(shifted_ids)
    shifted_ids = hash_ids + offsets[None, None, :]
    emb = jnp.take(table, shifted_ids, axis=0)  # [B, S, NUM_HEADS, D]
    return emb

if __name__ == "__main__":
    import jax
    _d = setup_inputs()
    print(jax.jit(kernel)(*tuple(_d.values())))

</pallas_src>

<mosaic_0001>
#map = affine_map<(d0, d1) -> (0)>
#map1 = affine_map<(d0, d1) -> (0, 0)>
module attributes {stable_mosaic.version = 14 : i64} {
  func.func @run(%arg0: i32, %arg1: i32, %arg2: memref<262144xi32, #tpu.memory_space<hbm>>, %arg3: memref<16xi32, #tpu.memory_space<hbm>>, %arg4: memref<1600000x64xf32, #tpu.memory_space<hbm>>, %arg5: memref<262144x64xf32, #tpu.memory_space<hbm>>, %arg6: memref<8192xi32, #tpu.memory_space<vmem>>, %arg7: memref<16xi32, #tpu.memory_space<vmem>>, %arg8: memref<256x64xf32, #tpu.memory_space<vmem>>, %arg9: memref<256x64xf32, #tpu.memory_space<vmem>>, %arg10: memref<256x64xf32, #tpu.memory_space<vmem>>, %arg11: memref<256x64xf32, #tpu.memory_space<vmem>>, %arg12: memref<256x64xf32, #tpu.memory_space<vmem>>, %arg13: memref<256x64xf32, #tpu.memory_space<vmem>>, %arg14: memref<!tpu.dma_semaphore, #tpu.memory_space<semaphore_mem>>, %arg15: memref<!tpu.dma_semaphore, #tpu.memory_space<semaphore_mem>>, %arg16: memref<!tpu.dma_semaphore, #tpu.memory_space<semaphore_mem>>, %arg17: memref<!tpu.dma_semaphore, #tpu.memory_space<semaphore_mem>>, %arg18: memref<!tpu.dma_semaphore, #tpu.memory_space<semaphore_mem>>, %arg19: memref<!tpu.dma_semaphore, #tpu.memory_space<semaphore_mem>>, %arg20: memref<!tpu.dma_semaphore, #tpu.memory_space<semaphore_mem>>, %arg21: memref<!tpu.dma_semaphore, #tpu.memory_space<semaphore_mem>>, %arg22: memref<!tpu.dma_semaphore, #tpu.memory_space<semaphore_mem>>, %arg23: memref<!tpu.dma_semaphore, #tpu.memory_space<semaphore_mem>>, %arg24: memref<!tpu.dma_semaphore, #tpu.memory_space<semaphore_mem>>, %arg25: memref<!tpu.dma_semaphore, #tpu.memory_space<semaphore_mem>>) attributes {dimension_semantics = [#tpu.dimension_semantics<core_parallel>, #tpu.dimension_semantics<subcore_parallel>], iteration_bounds = array<i64: 2, 16>, scalar_prefetch = 0 : i64, scratch_operands = 20 : i64, tpu.core_type = #tpu.core_type<sc_vector_subcore>, window_params = [{transform_indices = #map}, {transform_indices = #map}, {transform_indices = #map1}, {transform_indices = #map1}]} {
    %mul3A = arith.constant 2 : i32
    %mul3A_0 = arith.muli %arg1, %mul3A : i32
    %add3A = arith.addi %mul3A_0, %arg0 : i32
    %mul3A_1 = arith.constant 8192 : i32
    %mul3A_2 = arith.muli %add3A, %mul3A_1 : i32
    "tpu.region"() ({
      %run_scoped3A = tpu.sem_alloc : memref<!tpu.dma_semaphore, #tpu.memory_space<semaphore_mem>>
      tpu.enqueue_dma source(%arg3 : memref<16xi32, #tpu.memory_space<hbm>>) target(%arg7 : memref<16xi32, #tpu.memory_space<vmem>>) target_semaphore(%run_scoped3A : memref<!tpu.dma_semaphore, #tpu.memory_space<semaphore_mem>>)
      tpu.wait_dma2 semaphore(%run_scoped3A : memref<!tpu.dma_semaphore, #tpu.memory_space<semaphore_mem>>) src(%arg3 : memref<16xi32, #tpu.memory_space<hbm>>) dst(%arg7 : memref<16xi32, #tpu.memory_space<vmem>>)
      tpu.yield
    }) : () -> ()
    "tpu.region"() ({
      %run_scoped3A = tpu.sem_alloc : memref<!tpu.dma_semaphore, #tpu.memory_space<semaphore_mem>>
      %dma_start3A_711 = tpu.memref_slice %arg2[%mul3A_2] : memref<262144xi32, #tpu.memory_space<hbm>> -> memref<8192xi32, #tpu.memory_space<hbm>>
      %dma_start3A_712 = tpu.memref_slice %arg2[%mul3A_2] : memref<262144xi32, #tpu.memory_space<hbm>> -> memref<8192xi32, #tpu.memory_space<hbm>>
      tpu.enqueue_dma source(%dma_start3A_712 : memref<8192xi32, #tpu.memory_space<hbm>>) target(%arg6 : memref<8192xi32, #tpu.memory_space<vmem>>) target_semaphore(%run_scoped3A : memref<!tpu.dma_semaphore, #tpu.memory_space<semaphore_mem>>)
      %dma_wait3A_713 = tpu.memref_slice %arg2[%mul3A_2] : memref<262144xi32, #tpu.memory_space<hbm>> -> memref<8192xi32, #tpu.memory_space<hbm>>
      %dma_wait3A_714 = tpu.memref_slice %arg2[%mul3A_2] : memref<262144xi32, #tpu.memory_space<hbm>> -> memref<8192xi32, #tpu.memory_space<hbm>>
      tpu.wait_dma2 semaphore(%run_scoped3A : memref<!tpu.dma_semaphore, #tpu.memory_space<semaphore_mem>>) src(%dma_wait3A_714 : memref<8192xi32, #tpu.memory_space<hbm>>) dst(%arg6 : memref<8192xi32, #tpu.memory_space<vmem>>)
      tpu.yield
    }) : () -> ()
    %get3A = arith.constant 0 : index
    %get3A_3 = tpu.vector_load %arg7[%get3A] {strides = array<i32>} : memref<16xi32, #tpu.memory_space<vmem>>, vector<16xi32>,
    %get3A_4 = vector.shape_cast %get3A_3 : vector<16xi32> to vector<16xi32>
    %scan3A = arith.constant 0 : i32
    %scan3A_5 = arith.constant 64 : i32
    %scan3A_6 = arith.addi %scan3A, %scan3A_5 : i32
    %scan3A_7 = arith.constant 1 : i32
    scf.for %scan3A_711 = %scan3A to %scan3A_6 step %scan3A_7  : i32 {
      %mul3A_712 = arith.constant 1 : i32
      %mul3A_713 = arith.muli %scan3A_711, %mul3A_712 : i32
      %add3A_714 = arith.constant 0 : i32
      %add3A_715 = arith.addi %add3A_714, %mul3A_713 : i32
      %mul3A_716 = arith.constant 128 : i32
      %mul3A_717 = arith.muli %add3A_715, %mul3A_716 : i32
      %add3A_718 = arith.constant 0 : i32
      %add3A_719 = arith.addi %mul3A_717, %add3A_718 : i32
      %get3A_720 = arith.index_cast %add3A_719 : i32 to index
      %get3A_721 = tpu.vector_load %arg6[%get3A_720] {strides = array<i32>} : memref<8192xi32, #tpu.memory_space<vmem>>, vector<16xi32>,
      %get3A_722 = vector.shape_cast %get3A_721 : vector<16xi32> to vector<16xi32>
      %add3A_723 = arith.addi %get3A_722, %get3A_4 : vector<16xi32>
      %swap3A = arith.index_cast %add3A_719 : i32 to index
      %swap3A_724 = tpu.vector_load %arg6[%swap3A] {strides = array<i32>} : memref<8192xi32, #tpu.memory_space<vmem>>, vector<16xi32>,
      %swap3A_725 = vector.shape_cast %swap3A_724 : vector<16xi32> to vector<16xi32>
      %swap3A_726 = vector.shape_cast %add3A_723 : vector<16xi32> to vector<16xi32>
      tpu.vector_store %arg6[%swap3A], %swap3A_726 {strides = array<i32>} : memref<8192xi32, #tpu.memory_space<vmem>>, vector<16xi32>,
      %mul3A_727 = arith.constant 128 : i32
      %mul3A_728 = arith.muli %add3A_715, %mul3A_727 : i32
      %add3A_729 = arith.constant 16 : i32
      %add3A_730 = arith.addi %mul3A_728, %add3A_729 : i32
      %get3A_731 = arith.index_cast %add3A_730 : i32 to index
      %get3A_732 = tpu.vector_load %arg6[%get3A_731] {strides = array<i32>} : memref<8192xi32, #tpu.memory_space<vmem>>, vector<16xi32>,
      %get3A_733 = vector.shape_cast %get3A_732 : vector<16xi32> to vector<16xi32>
      %add3A_734 = arith.addi %get3A_733, %get3A_4 : vector<16xi32>
      %swap3A_735 = arith.index_cast %add3A_730 : i32 to index
      %swap3A_736 = tpu.vector_load %arg6[%swap3A_735] {strides = array<i32>} : memref<8192xi32, #tpu.memory_space<vmem>>, vector<16xi32>,
      %swap3A_737 = vector.shape_cast %swap3A_736 : vector<16xi32> to vector<16xi32>
      %swap3A_738 = vector.shape_cast %add3A_734 : vector<16xi32> to vector<16xi32>
      tpu.vector_store %arg6[%swap3A_735], %swap3A_738 {strides = array<i32>} : memref<8192xi32, #tpu.memory_space<vmem>>, vector<16xi32>,
      %mul3A_739 = arith.constant 128 : i32
      %mul3A_740 = arith.muli %add3A_715, %mul3A_739 : i32
      %add3A_741 = arith.constant 32 : i32
      %add3A_742 = arith.addi %mul3A_740, %add3A_741 : i32
      %get3A_743 = arith.index_cast %add3A_742 : i32 to index
      %get3A_744 = tpu.vector_load %arg6[%get3A_743] {strides = array<i32>} : memref<8192xi32, #tpu.memory_space<vmem>>, vector<16xi32>,
      %get3A_745 = vector.shape_cast %get3A_744 : vector<16xi32> to vector<16xi32>
      %add3A_746 = arith.addi %get3A_745, %get3A_4 : vector<16xi32>
      %swap3A_747 = arith.index_cast %add3A_742 : i32 to index
      %swap3A_748 = tpu.vector_load %arg6[%swap3A_747] {strides = array<i32>} : memref<8192xi32, #tpu.memory_space<vmem>>, vector<16xi32>,
      %swap3A_749 = vector.shape_cast %swap3A_748 : vector<16xi32> to vector<16xi32>
      %swap3A_750 = vector.shape_cast %add3A_746 : vector<16xi32> to vector<16xi32>
      tpu.vector_store %arg6[%swap3A_747], %swap3A_750 {strides = array<i32>} : memref<8192xi32, #tpu.memory_space<vmem>>, vector<16xi32>,
      %mul3A_751 = arith.constant 128 : i32
      %mul3A_752 = arith.muli %add3A_715, %mul3A_751 : i32
      %add3A_753 = arith.constant 48 : i32
      %add3A_754 = arith.addi %mul3A_752, %add3A_753 : i32
      %get3A_755 = arith.index_cast %add3A_754 : i32 to index
      %get3A_756 = tpu.vector_load %arg6[%get3A_755] {strides = array<i32>} : memref<8192xi32, #tpu.memory_space<vmem>>, vector<16xi32>,
      %get3A_757 = vector.shape_cast %get3A_756 : vector<16xi32> to vector<16xi32>
      %add3A_758 = arith.addi %get3A_757, %get3A_4 : vector<16xi32>
      %swap3A_759 = arith.index_cast %add3A_754 : i32 to index
      %swap3A_760 = tpu.vector_load %arg6[%swap3A_759] {strides = array<i32>} : memref<8192xi32, #tpu.memory_space<vmem>>, vector<16xi32>,
      %swap3A_761 = vector.shape_cast %swap3A_760 : vector<16xi32> to vector<16xi32>
      %swap3A_762 = vector.shape_cast %add3A_758 : vector<16xi32> to vector<16xi32>
      tpu.vector_store %arg6[%swap3A_759], %swap3A_762 {strides = array<i32>} : memref<8192xi32, #tpu.memory_space<vmem>>, vector<16xi32>,
      %mul3A_763 = arith.constant 128 : i32
      %mul3A_764 = arith.muli %add3A_715, %mul3A_763 : i32
      %add3A_765 = arith.constant 64 : i32
      %add3A_766 = arith.addi %mul3A_764, %add3A_765 : i32
      %get3A_767 = arith.index_cast %add3A_766 : i32 to index
      %get3A_768 = tpu.vector_load %arg6[%get3A_767] {strides = array<i32>} : memref<8192xi32, #tpu.memory_space<vmem>>, vector<16xi32>,
      %get3A_769 = vector.shape_cast %get3A_768 : vector<16xi32> to vector<16xi32>
      %add3A_770 = arith.addi %get3A_769, %get3A_4 : vector<16xi32>
      %swap3A_771 = arith.index_cast %add3A_766 : i32 to index
      %swap3A_772 = tpu.vector_load %arg6[%swap3A_771] {strides = array<i32>} : memref<8192xi32, #tpu.memory_space<vmem>>, vector<16xi32>,
      %swap3A_773 = vector.shape_cast %swap3A_772 : vector<16xi32> to vector<16xi32>
      %swap3A_774 = vector.shape_cast %add3A_770 : vector<16xi32> to vector<16xi32>
      tpu.vector_store %arg6[%swap3A_771], %swap3A_774 {strides = array<i32>} : memref<8192xi32, #tpu.memory_space<vmem>>, vector<16xi32>,
      %mul3A_775 = arith.constant 128 : i32
      %mul3A_776 = arith.muli %add3A_715, %mul3A_775 : i32
      %add3A_777 = arith.constant 80 : i32
      %add3A_778 = arith.addi %mul3A_776, %add3A_777 : i32
      %get3A_779 = arith.index_cast %add3A_778 : i32 to index
      %get3A_780 = tpu.vector_load %arg6[%get3A_779] {strides = array<i32>} : memref<8192xi32, #tpu.memory_space<vmem>>, vector<16xi32>,
      %get3A_781 = vector.shape_cast %get3A_780 : vector<16xi32> to vector<16xi32>
      %add3A_782 = arith.addi %get3A_781, %get3A_4 : vector<16xi32>
      %swap3A_783 = arith.index_cast %add3A_778 : i32 to index
      %swap3A_784 = tpu.vector_load %arg6[%swap3A_783] {strides = array<i32>} : memref<8192xi32, #tpu.memory_space<vmem>>, vector<16xi32>,
      %swap3A_785 = vector.shape_cast %swap3A_784 : vector<16xi32> to vector<16xi32>
      %swap3A_786 = vector.shape_cast %add3A_782 : vector<16xi32> to vector<16xi32>
      tpu.vector_store %arg6[%swap3A_783], %swap3A_786 {strides = array<i32>} : memref<8192xi32, #tpu.memory_space<vmem>>, vector<16xi32>,
      %mul3A_787 = arith.constant 128 : i32
      %mul3A_788 = arith.muli %add3A_715, %mul3A_787 : i32
      %add3A_789 = arith.constant 96 : i32
      %add3A_790 = arith.addi %mul3A_788, %add3A_789 : i32
      %get3A_791 = arith.index_cast %add3A_790 : i32 to index
      %get3A_792 = tpu.vector_load %arg6[%get3A_791] {strides = array<i32>} : memref<8192xi32, #tpu.memory_space<vmem>>, vector<16xi32>,
      %get3A_793 = vector.shape_cast %get3A_792 : vector<16xi32> to vector<16xi32>
      %add3A_794 = arith.addi %get3A_793, %get3A_4 : vector<16xi32>
      %swap3A_795 = arith.index_cast %add3A_790 : i32 to index
      %swap3A_796 = tpu.vector_load %arg6[%swap3A_795] {strides = array<i32>} : memref<8192xi32, #tpu.memory_space<vmem>>, vector<16xi32>,
      %swap3A_797 = vector.shape_cast %swap3A_796 : vector<16xi32> to vector<16xi32>
      %swap3A_798 = vector.shape_cast %add3A_794 : vector<16xi32> to vector<16xi32>
      tpu.vector_store %arg6[%swap3A_795], %swap3A_798 {strides = array<i32>} : memref<8192xi32, #tpu.memory_space<vmem>>, vector<16xi32>,
      %mul3A_799 = arith.constant 128 : i32
      %mul3A_800 = arith.muli %add3A_715, %mul3A_799 : i32
      %add3A_801 = arith.constant 112 : i32
      %add3A_802 = arith.addi %mul3A_800, %add3A_801 : i32
      %get3A_803 = arith.index_cast %add3A_802 : i32 to index
      %get3A_804 = tpu.vector_load %arg6[%get3A_803] {strides = array<i32>} : memref<8192xi32, #tpu.memory_space<vmem>>, vector<16xi32>,
      %get3A_805 = vector.shape_cast %get3A_804 : vector<16xi32> to vector<16xi32>
      %add3A_806 = arith.addi %get3A_805, %get3A_4 : vector<16xi32>
      %swap3A_807 = arith.index_cast %add3A_802 : i32 to index
      %swap3A_808 = tpu.vector_load %arg6[%swap3A_807] {strides = array<i32>} : memref<8192xi32, #tpu.memory_space<vmem>>, vector<16xi32>,
      %swap3A_809 = vector.shape_cast %swap3A_808 : vector<16xi32> to vector<16xi32>
      %swap3A_810 = vector.shape_cast %add3A_806 : vector<16xi32> to vector<16xi32>
      tpu.vector_store %arg6[%swap3A_807], %swap3A_810 {strides = array<i32>} : memref<8192xi32, #tpu.memory_space<vmem>>, vector<16xi32>,
    }
    %scan3A_8 = arith.constant 64 : i32
    %dma_start3A = arith.constant 0 : i32
    %dma_start3A_9 = tpu.memref_slice %arg6[%dma_start3A] : memref<8192xi32, #tpu.memory_space<vmem>> -> memref<256xi32, #tpu.memory_space<vmem>>
    %dma_start3A_10 = arith.constant 0 : i32
    %dma_start3A_11 = arith.constant 0 : i32
    %dma_start3A_12 = tpu.memref_slice %arg4[%dma_start3A_10, %dma_start3A_11] : memref<1600000x64xf32, #tpu.memory_space<hbm>> -> memref<1600000x64xf32, #tpu.memory_space<hbm>>
    tpu.enqueue_indirect_dma source(%dma_start3A_12 : memref<1600000x64xf32, #tpu.memory_space<hbm>>) target(%arg8 : memref<256x64xf32, #tpu.memory_space<vmem>>) offsets(%dma_start3A_9 : memref<256xi32, #tpu.memory_space<vmem>>) semaphore(%arg14 : memref<!tpu.dma_semaphore, #tpu.memory_space<semaphore_mem>>)
    %dma_start3A_13 = arith.constant 256 : i32
    %dma_start3A_14 = tpu.memref_slice %arg6[%dma_start3A_13] : memref<8192xi32, #tpu.memory_space<vmem>> -> memref<256xi32, #tpu.memory_space<vmem>>
    %dma_start3A_15 = arith.constant 0 : i32
    %dma_start3A_16 = arith.constant 0 : i32
    %dma_start3A_17 = tpu.memref_slice %arg4[%dma_start3A_15, %dma_start3A_16] : memref<1600000x64xf32, #tpu.memory_space<hbm>> -> memref<1600000x64xf32, #tpu.memory_space<hbm>>
    tpu.enqueue_indirect_dma source(%dma_start3A_17 : memref<1600000x64xf32, #tpu.memory_space<hbm>>) target(%arg9 : memref<256x64xf32, #tpu.memory_space<vmem>>) offsets(%dma_start3A_14 : memref<256xi32, #tpu.memory_space<vmem>>) semaphore(%arg15 : memref<!tpu.dma_semaphore, #tpu.memory_space<semaphore_mem>>)
    %dma_start3A_18 = arith.constant 512 : i32
    %dma_start3A_19 = tpu.memref_slice %arg6[%dma_start3A_18] : memref<8192xi32, #tpu.memory_space<vmem>> -> memref<256xi32, #tpu.memory_space<vmem>>
    %dma_start3A_20 = arith.constant 0 : i32
    %dma_start3A_21 = arith.constant 0 : i32
    %dma_start3A_22 = tpu.memref_slice %arg4[%dma_start3A_20, %dma_start3A_21] : memref<1600000x64xf32, #tpu.memory_space<hbm>> -> memref<1600000x64xf32, #tpu.memory_space<hbm>>
    tpu.enqueue_indirect_dma source(%dma_start3A_22 : memref<1600000x64xf32, #tpu.memory_space<hbm>>) target(%arg10 : memref<256x64xf32, #tpu.memory_space<vmem>>) offsets(%dma_start3A_19 : memref<256xi32, #tpu.memory_space<vmem>>) semaphore(%arg16 : memref<!tpu.dma_semaphore, #tpu.memory_space<semaphore_mem>>)
    %dma_start3A_23 = arith.constant 768 : i32
    %dma_start3A_24 = tpu.memref_slice %arg6[%dma_start3A_23] : memref<8192xi32, #tpu.memory_space<vmem>> -> memref<256xi32, #tpu.memory_space<vmem>>
    %dma_start3A_25 = arith.constant 0 : i32
    %dma_start3A_26 = arith.constant 0 : i32
    %dma_start3A_27 = tpu.memref_slice %arg4[%dma_start3A_25, %dma_start3A_26] : memref<1600000x64xf32, #tpu.memory_space<hbm>> -> memref<1600000x64xf32, #tpu.memory_space<hbm>>
    tpu.enqueue_indirect_dma source(%dma_start3A_27 : memref<1600000x64xf32, #tpu.memory_space<hbm>>) target(%arg11 : memref<256x64xf32, #tpu.memory_space<vmem>>) offsets(%dma_start3A_24 : memref<256xi32, #tpu.memory_space<vmem>>) semaphore(%arg17 : memref<!tpu.dma_semaphore, #tpu.memory_space<semaphore_mem>>)
    %dma_start3A_28 = arith.constant 1024 : i32
    %dma_start3A_29 = tpu.memref_slice %arg6[%dma_start3A_28] : memref<8192xi32, #tpu.memory_space<vmem>> -> memref<256xi32, #tpu.memory_space<vmem>>
    %dma_start3A_30 = arith.constant 0 : i32
    %dma_start3A_31 = arith.constant 0 : i32
    %dma_start3A_32 = tpu.memref_slice %arg4[%dma_start3A_30, %dma_start3A_31] : memref<1600000x64xf32, #tpu.memory_space<hbm>> -> memref<1600000x64xf32, #tpu.memory_space<hbm>>
    tpu.enqueue_indirect_dma source(%dma_start3A_32 : memref<1600000x64xf32, #tpu.memory_space<hbm>>) target(%arg12 : memref<256x64xf32, #tpu.memory_space<vmem>>) offsets(%dma_start3A_29 : memref<256xi32, #tpu.memory_space<vmem>>) semaphore(%arg18 : memref<!tpu.dma_semaphore, #tpu.memory_space<semaphore_mem>>)
    %dma_wait3A = arith.constant 0 : i32
    %dma_wait3A_33 = tpu.memref_slice %arg6[%dma_wait3A] : memref<8192xi32, #tpu.memory_space<vmem>> -> memref<256xi32, #tpu.memory_space<vmem>>
    %dma_wait3A_34 = arith.constant 0 : i32
    %dma_wait3A_35 = arith.constant 0 : i32
    %dma_wait3A_36 = tpu.memref_slice %arg4[%dma_wait3A_34, %dma_wait3A_35] : memref<1600000x64xf32, #tpu.memory_space<hbm>> -> memref<1600000x64xf32, #tpu.memory_space<hbm>>
    tpu.wait_indirect_dma semaphore(%arg14 : memref<!tpu.dma_semaphore, #tpu.memory_space<semaphore_mem>>) src(%dma_wait3A_36 : memref<1600000x64xf32, #tpu.memory_space<hbm>>) dst(%arg8 : memref<256x64xf32, #tpu.memory_space<vmem>>)
    %add3A_37 = arith.constant 0 : i32
    %add3A_38 = arith.addi %mul3A_2, %add3A_37 : i32
    %dma_start3A_39 = arith.constant 0 : i32
    %dma_start3A_40 = tpu.memref_slice %arg5[%add3A_38, %dma_start3A_39] : memref<262144x64xf32, #tpu.memory_space<hbm>> -> memref<256x64xf32, #tpu.memory_space<hbm>>
    %dma_start3A_41 = arith.constant 0 : i32
    %dma_start3A_42 = tpu.memref_slice %arg5[%add3A_38, %dma_start3A_41] : memref<262144x64xf32, #tpu.memory_space<hbm>> -> memref<256x64xf32, #tpu.memory_space<hbm>>
    tpu.enqueue_dma source(%arg8 : memref<256x64xf32, #tpu.memory_space<vmem>>) target(%dma_start3A_42 : memref<256x64xf32, #tpu.memory_space<hbm>>) target_semaphore(%arg20 : memref<!tpu.dma_semaphore, #tpu.memory_space<semaphore_mem>>)
    %dma_start3A_43 = arith.constant 1280 : i32
    %dma_start3A_44 = tpu.memref_slice %arg6[%dma_start3A_43] : memref<8192xi32, #tpu.memory_space<vmem>> -> memref<256xi32, #tpu.memory_space<vmem>>
    %dma_start3A_45 = arith.constant 0 : i32
    %dma_start3A_46 = arith.constant 0 : i32
    %dma_start3A_47 = tpu.memref_slice %arg4[%dma_start3A_45, %dma_start3A_46] : memref<1600000x64xf32, #tpu.memory_space<hbm>> -> memref<1600000x64xf32, #tpu.memory_space<hbm>>
    tpu.enqueue_indirect_dma source(%dma_start3A_47 : memref<1600000x64xf32, #tpu.memory_space<hbm>>) target(%arg13 : memref<256x64xf32, #tpu.memory_space<vmem>>) offsets(%dma_start3A_44 : memref<256xi32, #tpu.memory_space<vmem>>) semaphore(%arg19 : memref<!tpu.dma_semaphore, #tpu.memory_space<semaphore_mem>>)
    %dma_wait3A_48 = arith.constant 256 : i32
    %dma_wait3A_49 = tpu.memref_slice %arg6[%dma_wait3A_48] : memref<8192xi32, #tpu.memory_space<vmem>> -> memref<256xi32, #tpu.memory_space<vmem>>
    %dma_wait3A_50 = arith.constant 0 : i32
    %dma_wait3A_51 = arith.constant 0 : i32
    %dma_wait3A_52 = tpu.memref_slice %arg4[%dma_wait3A_50, %dma_wait3A_51] : memref<1600000x64xf32, #tpu.memory_space<hbm>> -> memref<1600000x64xf32, #tpu.memory_space<hbm>>
    tpu.wait_indirect_dma semaphore(%arg15 : memref<!tpu.dma_semaphore, #tpu.memory_space<semaphore_mem>>) src(%dma_wait3A_52 : memref<1600000x64xf32, #tpu.memory_space<hbm>>) dst(%arg9 : memref<256x64xf32, #tpu.memory_space<vmem>>)
    %add3A_53 = arith.constant 256 : i32
    %add3A_54 = arith.addi %mul3A_2, %add3A_53 : i32
    %dma_start3A_55 = arith.constant 0 : i32
    %dma_start3A_56 = tpu.memref_slice %arg5[%add3A_54, %dma_start3A_55] : memref<262144x64xf32, #tpu.memory_space<hbm>> -> memref<256x64xf32, #tpu.memory_space<hbm>>
    %dma_start3A_57 = arith.constant 0 : i32
    %dma_start3A_58 = tpu.memref_slice %arg5[%add3A_54, %dma_start3A_57] : memref<262144x64xf32, #tpu.memory_space<hbm>> -> memref<256x64xf32, #tpu.memory_space<hbm>>
    tpu.enqueue_dma source(%arg9 : memref<256x64xf32, #tpu.memory_space<vmem>>) target(%dma_start3A_58 : memref<256x64xf32, #tpu.memory_space<hbm>>) target_semaphore(%arg21 : memref<!tpu.dma_semaphore, #tpu.memory_space<semaphore_mem>>)
    %add3A_59 = arith.constant 0 : i32
    %add3A_60 = arith.addi %mul3A_2, %add3A_59 : i32
    %dma_wait3A_61 = arith.constant 0 : i32
    %dma_wait3A_62 = tpu.memref_slice %arg5[%add3A_60, %dma_wait3A_61] : memref<262144x64xf32, #tpu.memory_space<hbm>> -> memref<256x64xf32, #tpu.memory_space<hbm>>
    %dma_wait3A_63 = arith.constant 0 : i32
    %dma_wait3A_64 = tpu.memref_slice %arg5[%add3A_60, %dma_wait3A_63] : memref<262144x64xf32, #tpu.memory_space<hbm>> -> memref<256x64xf32, #tpu.memory_space<hbm>>
    tpu.wait_dma2 semaphore(%arg20 : memref<!tpu.dma_semaphore, #tpu.memory_space<semaphore_mem>>) src(%arg8 : memref<256x64xf32, #tpu.memory_space<vmem>>) dst(%dma_wait3A_64 : memref<256x64xf32, #tpu.memory_space<hbm>>)
    %dma_start3A_65 = arith.constant 1536 : i32
    %dma_start3A_66 = tpu.memref_slice %arg6[%dma_start3A_65] : memref<8192xi32, #tpu.memory_space<vmem>> -> memref<256xi32, #tpu.memory_space<vmem>>
    %dma_start3A_67 = arith.constant 0 : i32
    %dma_start3A_68 = arith.constant 0 : i32
    %dma_start3A_69 = tpu.memref_slice %arg4[%dma_start3A_67, %dma_start3A_68] : memref<1600000x64xf32, #tpu.memory_space<hbm>> -> memref<1600000x64xf32, #tpu.memory_space<hbm>>
    tpu.enqueue_indirect_dma source(%dma_start3A_69 : memref<1600000x64xf32, #tpu.memory_space<hbm>>) target(%arg8 : memref<256x64xf32, #tpu.memory_space<vmem>>) offsets(%dma_start3A_66 : memref<256xi32, #tpu.memory_space<vmem>>) semaphore(%arg14 : memref<!tpu.dma_semaphore, #tpu.memory_space<semaphore_mem>>)
    %dma_wait3A_70 = arith.constant 512 : i32
    %dma_wait3A_71 = tpu.memref_slice %arg6[%dma_wait3A_70] : memref<8192xi32, #tpu.memory_space<vmem>> -> memref<256xi32, #tpu.memory_space<vmem>>
    %dma_wait3A_72 = arith.constant 0 : i32
    %dma_wait3A_73 = arith.constant 0 : i32
    %dma_wait3A_74 = tpu.memref_slice %arg4[%dma_wait3A_72, %dma_wait3A_73] : memref<1600000x64xf32, #tpu.memory_space<hbm>> -> memref<1600000x64xf32, #tpu.memory_space<hbm>>
    tpu.wait_indirect_dma semaphore(%arg16 : memref<!tpu.dma_semaphore, #tpu.memory_space<semaphore_mem>>) src(%dma_wait3A_74 : memref<1600000x64xf32, #tpu.memory_space<hbm>>) dst(%arg10 : memref<256x64xf32, #tpu.memory_space<vmem>>)
    %add3A_75 = arith.constant 512 : i32
    %add3A_76 = arith.addi %mul3A_2, %add3A_75 : i32
    %dma_start3A_77 = arith.constant 0 : i32
    %dma_start3A_78 = tpu.memref_slice %arg5[%add3A_76, %dma_start3A_77] : memref<262144x64xf32, #tpu.memory_space<hbm>> -> memref<256x64xf32, #tpu.memory_space<hbm>>
    %dma_start3A_79 = arith.constant 0 : i32
    %dma_start3A_80 = tpu.memref_slice %arg5[%add3A_76, %dma_start3A_79] : memref<262144x64xf32, #tpu.memory_space<hbm>> -> memref<256x64xf32, #tpu.memory_space<hbm>>
    tpu.enqueue_dma source(%arg10 : memref<256x64xf32, #tpu.memory_space<vmem>>) target(%dma_start3A_80 : memref<256x64xf32, #tpu.memory_space<hbm>>) target_semaphore(%arg22 : memref<!tpu.dma_semaphore, #tpu.memory_space<semaphore_mem>>)
    %add3A_81 = arith.constant 256 : i32
    %add3A_82 = arith.addi %mul3A_2, %add3A_81 : i32
    %dma_wait3A_83 = arith.constant 0 : i32
    %dma_wait3A_84 = tpu.memref_slice %arg5[%add3A_82, %dma_wait3A_83] : memref<262144x64xf32, #tpu.memory_space<hbm>> -> memref<256x64xf32, #tpu.memory_space<hbm>>
    %dma_wait3A_85 = arith.constant 0 : i32
    %dma_wait3A_86 = tpu.memref_slice %arg5[%add3A_82, %dma_wait3A_85] : memref<262144x64xf32, #tpu.memory_space<hbm>> -> memref<256x64xf32, #tpu.memory_space<hbm>>
    tpu.wait_dma2 semaphore(%arg21 : memref<!tpu.dma_semaphore, #tpu.memory_space<semaphore_mem>>) src(%arg9 : memref<256x64xf32, #tpu.memory_space<vmem>>) dst(%dma_wait3A_86 : memref<256x64xf32, #tpu.memory_space<hbm>>)
    %dma_start3A_87 = arith.constant 1792 : i32
    %dma_start3A_88 = tpu.memref_slice %arg6[%dma_start3A_87] : memref<8192xi32, #tpu.memory_space<vmem>> -> memref<256xi32, #tpu.memory_space<vmem>>
    %dma_start3A_89 = arith.constant 0 : i32
    %dma_start3A_90 = arith.constant 0 : i32
    %dma_start3A_91 = tpu.memref_slice %arg4[%dma_start3A_89, %dma_start3A_90] : memref<1600000x64xf32, #tpu.memory_space<hbm>> -> memref<1600000x64xf32, #tpu.memory_space<hbm>>
    tpu.enqueue_indirect_dma source(%dma_start3A_91 : memref<1600000x64xf32, #tpu.memory_space<hbm>>) target(%arg9 : memref<256x64xf32, #tpu.memory_space<vmem>>) offsets(%dma_start3A_88 : memref<256xi32, #tpu.memory_space<vmem>>) semaphore(%arg15 : memref<!tpu.dma_semaphore, #tpu.memory_space<semaphore_mem>>)
    %dma_wait3A_92 = arith.constant 768 : i32
    %dma_wait3A_93 = tpu.memref_slice %arg6[%dma_wait3A_92] : memref<8192xi32, #tpu.memory_space<vmem>> -> memref<256xi32, #tpu.memory_space<vmem>>
    %dma_wait3A_94 = arith.constant 0 : i32
    %dma_wait3A_95 = arith.constant 0 : i32
    %dma_wait3A_96 = tpu.memref_slice %arg4[%dma_wait3A_94, %dma_wait3A_95] : memref<1600000x64xf32, #tpu.memory_space<hbm>> -> memref<1600000x64xf32, #tpu.memory_space<hbm>>
    tpu.wait_indirect_dma semaphore(%arg17 : memref<!tpu.dma_semaphore, #tpu.memory_space<semaphore_mem>>) src(%dma_wait3A_96 : memref<1600000x64xf32, #tpu.memory_space<hbm>>) dst(%arg11 : memref<256x64xf32, #tpu.memory_space<vmem>>)
    %add3A_97 = arith.constant 768 : i32
    %add3A_98 = arith.addi %mul3A_2, %add3A_97 : i32
    %dma_start3A_99 = arith.constant 0 : i32
    %dma_start3A_100 = tpu.memref_slice %arg5[%add3A_98, %dma_start3A_99] : memref<262144x64xf32, #tpu.memory_space<hbm>> -> memref<256x64xf32, #tpu.memory_space<hbm>>
    %dma_start3A_101 = arith.constant 0 : i32
    %dma_start3A_102 = tpu.memref_slice %arg5[%add3A_98, %dma_start3A_101] : memref<262144x64xf32, #tpu.memory_space<hbm>> -> memref<256x64xf32, #tpu.memory_space<hbm>>
    tpu.enqueue_dma source(%arg11 : memref<256x64xf32, #tpu.memory_space<vmem>>) target(%dma_start3A_102 : memref<256x64xf32, #tpu.memory_space<hbm>>) target_semaphore(%arg23 : memref<!tpu.dma_semaphore, #tpu.memory_space<semaphore_mem>>)
    %add3A_103 = arith.constant 512 : i32
    %add3A_104 = arith.addi %mul3A_2, %add3A_103 : i32
    %dma_wait3A_105 = arith.constant 0 : i32
    %dma_wait3A_106 = tpu.memref_slice %arg5[%add3A_104, %dma_wait3A_105] : memref<262144x64xf32, #tpu.memory_space<hbm>> -> memref<256x64xf32, #tpu.memory_space<hbm>>
    %dma_wait3A_107 = arith.constant 0 : i32
    %dma_wait3A_108 = tpu.memref_slice %arg5[%add3A_104, %dma_wait3A_107] : memref<262144x64xf32, #tpu.memory_space<hbm>> -> memref<256x64xf32, #tpu.memory_space<hbm>>
    tpu.wait_dma2 semaphore(%arg22 : memref<!tpu.dma_semaphore, #tpu.memory_space<semaphore_mem>>) src(%arg10 : memref<256x64xf32, #tpu.memory_space<vmem>>) dst(%dma_wait3A_108 : memref<256x64xf32, #tpu.memory_space<hbm>>)
    %dma_start3A_109 = arith.constant 2048 : i32
    %dma_start3A_110 = tpu.memref_slice %arg6[%dma_start3A_109] : memref<8192xi32, #tpu.memory_space<vmem>> -> memref<256xi32, #tpu.memory_space<vmem>>
    %dma_start3A_111 = arith.constant 0 : i32
    %dma_start3A_112 = arith.constant 0 : i32
    %dma_start3A_113 = tpu.memref_slice %arg4[%dma_start3A_111, %dma_start3A_112] : memref<1600000x64xf32, #tpu.memory_space<hbm>> -> memref<1600000x64xf32, #tpu.memory_space<hbm>>
    tpu.enqueue_indirect_dma source(%dma_start3A_113 : memref<1600000x64xf32, #tpu.memory_space<hbm>>) target(%arg10 : memref<256x64xf32, #tpu.memory_space<vmem>>) offsets(%dma_start3A_110 : memref<256xi32, #tpu.memory_space<vmem>>) semaphore(%arg16 : memref<!tpu.dma_semaphore, #tpu.memory_space<semaphore_mem>>)
    %dma_wait3A_114 = arith.constant 1024 : i32
    %dma_wait3A_115 = tpu.memref_slice %arg6[%dma_wait3A_114] : memref<8192xi32, #tpu.memory_space<vmem>> -> memref<256xi32, #tpu.memory_space<vmem>>
    %dma_wait3A_116 = arith.constant 0 : i32
    %dma_wait3A_117 = arith.constant 0 : i32
    %dma_wait3A_118 = tpu.memref_slice %arg4[%dma_wait3A_116, %dma_wait3A_117] : memref<1600000x64xf32, #tpu.memory_space<hbm>> -> memref<1600000x64xf32, #tpu.memory_space<hbm>>
    tpu.wait_indirect_dma semaphore(%arg18 : memref<!tpu.dma_semaphore, #tpu.memory_space<semaphore_mem>>) src(%dma_wait3A_118 : memref<1600000x64xf32, #tpu.memory_space<hbm>>) dst(%arg12 : memref<256x64xf32, #tpu.memory_space<vmem>>)
    %add3A_119 = arith.constant 1024 : i32
    %add3A_120 = arith.addi %mul3A_2, %add3A_119 : i32
    %dma_start3A_121 = arith.constant 0 : i32
    %dma_start3A_122 = tpu.memref_slice %arg5[%add3A_120, %dma_start3A_121] : memref<262144x64xf32, #tpu.memory_space<hbm>> -> memref<256x64xf32, #tpu.memory_space<hbm>>
    %dma_start3A_123 = arith.constant 0 : i32
    %dma_start3A_124 = tpu.memref_slice %arg5[%add3A_120, %dma_start3A_123] : memref<262144x64xf32, #tpu.memory_space<hbm>> -> memref<256x64xf32, #tpu.memory_space<hbm>>
    tpu.enqueue_dma source(%arg12 : memref<256x64xf32, #tpu.memory_space<vmem>>) target(%dma_start3A_124 : memref<256x64xf32, #tpu.memory_space<hbm>>) target_semaphore(%arg24 : memref<!tpu.dma_semaphore, #tpu.memory_space<semaphore_mem>>)
    %add3A_125 = arith.constant 768 : i32
    %add3A_126 = arith.addi %mul3A_2, %add3A_125 : i32
    %dma_wait3A_127 = arith.constant 0 : i32
    %dma_wait3A_128 = tpu.memref_slice %arg5[%add3A_126, %dma_wait3A_127] : memref<262144x64xf32, #tpu.memory_space<hbm>> -> memref<256x64xf32, #tpu.memory_space<hbm>>
    %dma_wait3A_129 = arith.constant 0 : i32
    %dma_wait3A_130 = tpu.memref_slice %arg5[%add3A_126, %dma_wait3A_129] : memref<262144x64xf32, #tpu.memory_space<hbm>> -> memref<256x64xf32, #tpu.memory_space<hbm>>
    tpu.wait_dma2 semaphore(%arg23 : memref<!tpu.dma_semaphore, #tpu.memory_space<semaphore_mem>>) src(%arg11 : memref<256x64xf32, #tpu.memory_space<vmem>>) dst(%dma_wait3A_130 : memref<256x64xf32, #tpu.memory_space<hbm>>)
    %dma_start3A_131 = arith.constant 2304 : i32
    %dma_start3A_132 = tpu.memref_slice %arg6[%dma_start3A_131] : memref<8192xi32, #tpu.memory_space<vmem>> -> memref<256xi32, #tpu.memory_space<vmem>>
    %dma_start3A_133 = arith.constant 0 : i32
    %dma_start3A_134 = arith.constant 0 : i32
    %dma_start3A_135 = tpu.memref_slice %arg4[%dma_start3A_133, %dma_start3A_134] : memref<1600000x64xf32, #tpu.memory_space<hbm>> -> memref<1600000x64xf32, #tpu.memory_space<hbm>>
    tpu.enqueue_indirect_dma source(%dma_start3A_135 : memref<1600000x64xf32, #tpu.memory_space<hbm>>) target(%arg11 : memref<256x64xf32, #tpu.memory_space<vmem>>) offsets(%dma_start3A_132 : memref<256xi32, #tpu.memory_space<vmem>>) semaphore(%arg17 : memref<!tpu.dma_semaphore, #tpu.memory_space<semaphore_mem>>)
    %dma_wait3A_136 = arith.constant 1280 : i32
    %dma_wait3A_137 = tpu.memref_slice %arg6[%dma_wait3A_136] : memref<8192xi32, #tpu.memory_space<vmem>> -> memref<256xi32, #tpu.memory_space<vmem>>
    %dma_wait3A_138 = arith.constant 0 : i32
    %dma_wait3A_139 = arith.constant 0 : i32
    %dma_wait3A_140 = tpu.memref_slice %arg4[%dma_wait3A_138, %dma_wait3A_139] : memref<1600000x64xf32, #tpu.memory_space<hbm>> -> memref<1600000x64xf32, #tpu.memory_space<hbm>>
    tpu.wait_indirect_dma semaphore(%arg19 : memref<!tpu.dma_semaphore, #tpu.memory_space<semaphore_mem>>) src(%dma_wait3A_140 : memref<1600000x64xf32, #tpu.memory_space<hbm>>) dst(%arg13 : memref<256x64xf32, #tpu.memory_space<vmem>>)
    %add3A_141 = arith.constant 1280 : i32
    %add3A_142 = arith.addi %mul3A_2, %add3A_141 : i32
    %dma_start3A_143 = arith.constant 0 : i32
    %dma_start3A_144 = tpu.memref_slice %arg5[%add3A_142, %dma_start3A_143] : memref<262144x64xf32, #tpu.memory_space<hbm>> -> memref<256x64xf32, #tpu.memory_space<hbm>>
    %dma_start3A_145 = arith.constant 0 : i32
    %dma_start3A_146 = tpu.memref_slice %arg5[%add3A_142, %dma_start3A_145] : memref<262144x64xf32, #tpu.memory_space<hbm>> -> memref<256x64xf32, #tpu.memory_space<hbm>>
    tpu.enqueue_dma source(%arg13 : memref<256x64xf32, #tpu.memory_space<vmem>>) target(%dma_start3A_146 : memref<256x64xf32, #tpu.memory_space<hbm>>) target_semaphore(%arg25 : memref<!tpu.dma_semaphore, #tpu.memory_space<semaphore_mem>>)
    %add3A_147 = arith.constant 1024 : i32
    %add3A_148 = arith.addi %mul3A_2, %add3A_147 : i32
    %dma_wait3A_149 = arith.constant 0 : i32
    %dma_wait3A_150 = tpu.memref_slice %arg5[%add3A_148, %dma_wait3A_149] : memref<262144x64xf32, #tpu.memory_space<hbm>> -> memref<256x64xf32, #tpu.memory_space<hbm>>
    %dma_wait3A_151 = arith.constant 0 : i32
    %dma_wait3A_152 = tpu.memref_slice %arg5[%add3A_148, %dma_wait3A_151] : memref<262144x64xf32, #tpu.memory_space<hbm>> -> memref<256x64xf32, #tpu.memory_space<hbm>>
    tpu.wait_dma2 semaphore(%arg24 : memref<!tpu.dma_semaphore, #tpu.memory_space<semaphore_mem>>) src(%arg12 : memref<256x64xf32, #tpu.memory_space<vmem>>) dst(%dma_wait3A_152 : memref<256x64xf32, #tpu.memory_space<hbm>>)
    %dma_start3A_153 = arith.constant 2560 : i32
    %dma_start3A_154 = tpu.memref_slice %arg6[%dma_start3A_153] : memref<8192xi32, #tpu.memory_space<vmem>> -> memref<256xi32, #tpu.memory_space<vmem>>
    %dma_start3A_155 = arith.constant 0 : i32
    %dma_start3A_156 = arith.constant 0 : i32
    %dma_start3A_157 = tpu.memref_slice %arg4[%dma_start3A_155, %dma_start3A_156] : memref<1600000x64xf32, #tpu.memory_space<hbm>> -> memref<1600000x64xf32, #tpu.memory_space<hbm>>
    tpu.enqueue_indirect_dma source(%dma_start3A_157 : memref<1600000x64xf32, #tpu.memory_space<hbm>>) target(%arg12 : memref<256x64xf32, #tpu.memory_space<vmem>>) offsets(%dma_start3A_154 : memref<256xi32, #tpu.memory_space<vmem>>) semaphore(%arg18 : memref<!tpu.dma_semaphore, #tpu.memory_space<semaphore_mem>>)
    %dma_wait3A_158 = arith.constant 1536 : i32
    %dma_wait3A_159 = tpu.memref_slice %arg6[%dma_wait3A_158] : memref<8192xi32, #tpu.memory_space<vmem>> -> memref<256xi32, #tpu.memory_space<vmem>>
    %dma_wait3A_160 = arith.constant 0 : i32
    %dma_wait3A_161 = arith.constant 0 : i32
    %dma_wait3A_162 = tpu.memref_slice %arg4[%dma_wait3A_160, %dma_wait3A_161] : memref<1600000x64xf32, #tpu.memory_space<hbm>> -> memref<1600000x64xf32, #tpu.memory_space<hbm>>
    tpu.wait_indirect_dma semaphore(%arg14 : memref<!tpu.dma_semaphore, #tpu.memory_space<semaphore_mem>>) src(%dma_wait3A_162 : memref<1600000x64xf32, #tpu.memory_space<hbm>>) dst(%arg8 : memref<256x64xf32, #tpu.memory_space<vmem>>)
    %add3A_163 = arith.constant 1536 : i32
    %add3A_164 = arith.addi %mul3A_2, %add3A_163 : i32
    %dma_start3A_165 = arith.constant 0 : i32
    %dma_start3A_166 = tpu.memref_slice %arg5[%add3A_164, %dma_start3A_165] : memref<262144x64xf32, #tpu.memory_space<hbm>> -> memref<256x64xf32, #tpu.memory_space<hbm>>
    %dma_start3A_167 = arith.constant 0 : i32
    %dma_start3A_168 = tpu.memref_slice %arg5[%add3A_164, %dma_start3A_167] : memref<262144x64xf32, #tpu.memory_space<hbm>> -> memref<256x64xf32, #tpu.memory_space<hbm>>
    tpu.enqueue_dma source(%arg8 : memref<256x64xf32, #tpu.memory_space<vmem>>) target(%dma_start3A_168 : memref<256x64xf32, #tpu.memory_space<hbm>>) target_semaphore(%arg20 : memref<!tpu.dma_semaphore, #tpu.memory_space<semaphore_mem>>)
    %add3A_169 = arith.constant 1280 : i32
    %add3A_170 = arith.addi %mul3A_2, %add3A_169 : i32
    %dma_wait3A_171 = arith.constant 0 : i32
    %dma_wait3A_172 = tpu.memref_slice %arg5[%add3A_170, %dma_wait3A_171] : memref<262144x64xf32, #tpu.memory_space<hbm>> -> memref<256x64xf32, #tpu.memory_space<hbm>>
    %dma_wait3A_173 = arith.constant 0 : i32
    %dma_wait3A_174 = tpu.memref_slice %arg5[%add3A_170, %dma_wait3A_173] : memref<262144x64xf32, #tpu.memory_space<hbm>> -> memref<256x64xf32, #tpu.memory_space<hbm>>
    tpu.wait_dma2 semaphore(%arg25 : memref<!tpu.dma_semaphore, #tpu.memory_space<semaphore_mem>>) src(%arg13 : memref<256x64xf32, #tpu.memory_space<vmem>>) dst(%dma_wait3A_174 : memref<256x64xf32, #tpu.memory_space<hbm>>)
    %dma_start3A_175 = arith.constant 2816 : i32
    %dma_start3A_176 = tpu.memref_slice %arg6[%dma_start3A_175] : memref<8192xi32, #tpu.memory_space<vmem>> -> memref<256xi32, #tpu.memory_space<vmem>>
    %dma_start3A_177 = arith.constant 0 : i32
    %dma_start3A_178 = arith.constant 0 : i32
    %dma_start3A_179 = tpu.memref_slice %arg4[%dma_start3A_177, %dma_start3A_178] : memref<1600000x64xf32, #tpu.memory_space<hbm>> -> memref<1600000x64xf32, #tpu.memory_space<hbm>>
    tpu.enqueue_indirect_dma source(%dma_start3A_179 : memref<1600000x64xf32, #tpu.memory_space<hbm>>) target(%arg13 : memref<256x64xf32, #tpu.memory_space<vmem>>) offsets(%dma_start3A_176 : memref<256xi32, #tpu.memory_space<vmem>>) semaphore(%arg19 : memref<!tpu.dma_semaphore, #tpu.memory_space<semaphore_mem>>)
    %dma_wait3A_180 = arith.constant 1792 : i32
    %dma_wait3A_181 = tpu.memref_slice %arg6[%dma_wait3A_180] : memref<8192xi32, #tpu.memory_space<vmem>> -> memref<256xi32, #tpu.memory_space<vmem>>
    %dma_wait3A_182 = arith.constant 0 : i32
    %dma_wait3A_183 = arith.constant 0 : i32
    %dma_wait3A_184 = tpu.memref_slice %arg4[%dma_wait3A_182, %dma_wait3A_183] : memref<1600000x64xf32, #tpu.memory_space<hbm>> -> memref<1600000x64xf32, #tpu.memory_space<hbm>>
    tpu.wait_indirect_dma semaphore(%arg15 : memref<!tpu.dma_semaphore, #tpu.memory_space<semaphore_mem>>) src(%dma_wait3A_184 : memref<1600000x64xf32, #tpu.memory_space<hbm>>) dst(%arg9 : memref<256x64xf32, #tpu.memory_space<vmem>>)
    %add3A_185 = arith.constant 1792 : i32
    %add3A_186 = arith.addi %mul3A_2, %add3A_185 : i32
    %dma_start3A_187 = arith.constant 0 : i32
    %dma_start3A_188 = tpu.memref_slice %arg5[%add3A_186, %dma_start3A_187] : memref<262144x64xf32, #tpu.memory_space<hbm>> -> memref<256x64xf32, #tpu.memory_space<hbm>>
    %dma_start3A_189 = arith.constant 0 : i32
    %dma_start3A_190 = tpu.memref_slice %arg5[%add3A_186, %dma_start3A_189] : memref<262144x64xf32, #tpu.memory_space<hbm>> -> memref<256x64xf32, #tpu.memory_space<hbm>>
    tpu.enqueue_dma source(%arg9 : memref<256x64xf32, #tpu.memory_space<vmem>>) target(%dma_start3A_190 : memref<256x64xf32, #tpu.memory_space<hbm>>) target_semaphore(%arg21 : memref<!tpu.dma_semaphore, #tpu.memory_space<semaphore_mem>>)
    %add3A_191 = arith.constant 1536 : i32
    %add3A_192 = arith.addi %mul3A_2, %add3A_191 : i32
    %dma_wait3A_193 = arith.constant 0 : i32
    %dma_wait3A_194 = tpu.memref_slice %arg5[%add3A_192, %dma_wait3A_193] : memref<262144x64xf32, #tpu.memory_space<hbm>> -> memref<256x64xf32, #tpu.memory_space<hbm>>
    %dma_wait3A_195 = arith.constant 0 : i32
    %dma_wait3A_196 = tpu.memref_slice %arg5[%add3A_192, %dma_wait3A_195] : memref<262144x64xf32, #tpu.memory_space<hbm>> -> memref<256x64xf32, #tpu.memory_space<hbm>>
    tpu.wait_dma2 semaphore(%arg20 : memref<!tpu.dma_semaphore, #tpu.memory_space<semaphore_mem>>) src(%arg8 : memref<256x64xf32, #tpu.memory_space<vmem>>) dst(%dma_wait3A_196 : memref<256x64xf32, #tpu.memory_space<hbm>>)
    %dma_start3A_197 = arith.constant 3072 : i32
    %dma_start3A_198 = tpu.memref_slice %arg6[%dma_start3A_197] : memref<8192xi32, #tpu.memory_space<vmem>> -> memref<256xi32, #tpu.memory_space<vmem>>
    %dma_start3A_199 = arith.constant 0 : i32
    %dma_start3A_200 = arith.constant 0 : i32
    %dma_start3A_201 = tpu.memref_slice %arg4[%dma_start3A_199, %dma_start3A_200] : memref<1600000x64xf32, #tpu.memory_space<hbm>> -> memref<1600000x64xf32, #tpu.memory_space<hbm>>
    tpu.enqueue_indirect_dma source(%dma_start3A_201 : memref<1600000x64xf32, #tpu.memory_space<hbm>>) target(%arg8 : memref<256x64xf32, #tpu.memory_space<vmem>>) offsets(%dma_start3A_198 : memref<256xi32, #tpu.memory_space<vmem>>) semaphore(%arg14 : memref<!tpu.dma_semaphore, #tpu.memory_space<semaphore_mem>>)
    %dma_wait3A_202 = arith.constant 2048 : i32
    %dma_wait3A_203 = tpu.memref_slice %arg6[%dma_wait3A_202] : memref<8192xi32, #tpu.memory_space<vmem>> -> memref<256xi32, #tpu.memory_space<vmem>>
    %dma_wait3A_204 = arith.constant 0 : i32
    %dma_wait3A_205 = arith.constant 0 : i32
    %dma_wait3A_206 = tpu.memref_slice %arg4[%dma_wait3A_204, %dma_wait3A_205] : memref<1600000x64xf32, #tpu.memory_space<hbm>> -> memref<1600000x64xf32, #tpu.memory_space<hbm>>
    tpu.wait_indirect_dma semaphore(%arg16 : memref<!tpu.dma_semaphore, #tpu.memory_space<semaphore_mem>>) src(%dma_wait3A_206 : memref<1600000x64xf32, #tpu.memory_space<hbm>>) dst(%arg10 : memref<256x64xf32, #tpu.memory_space<vmem>>)
    %add3A_207 = arith.constant 2048 : i32
    %add3A_208 = arith.addi %mul3A_2, %add3A_207 : i32
    %dma_start3A_209 = arith.constant 0 : i32
    %dma_start3A_210 = tpu.memref_slice %arg5[%add3A_208, %dma_start3A_209] : memref<262144x64xf32, #tpu.memory_space<hbm>> -> memref<256x64xf32, #tpu.memory_space<hbm>>
    %dma_start3A_211 = arith.constant 0 : i32
    %dma_start3A_212 = tpu.memref_slice %arg5[%add3A_208, %dma_start3A_211] : memref<262144x64xf32, #tpu.memory_space<hbm>> -> memref<256x64xf32, #tpu.memory_space<hbm>>
    tpu.enqueue_dma source(%arg10 : memref<256x64xf32, #tpu.memory_space<vmem>>) target(%dma_start3A_212 : memref<256x64xf32, #tpu.memory_space<hbm>>) target_semaphore(%arg22 : memref<!tpu.dma_semaphore, #tpu.memory_space<semaphore_mem>>)
    %add3A_213 = arith.constant 1792 : i32
    %add3A_214 = arith.addi %mul3A_2, %add3A_213 : i32
    %dma_wait3A_215 = arith.constant 0 : i32
    %dma_wait3A_216 = tpu.memref_slice %arg5[%add3A_214, %dma_wait3A_215] : memref<262144x64xf32, #tpu.memory_space<hbm>> -> memref<256x64xf32, #tpu.memory_space<hbm>>
    %dma_wait3A_217 = arith.constant 0 : i32
    %dma_wait3A_218 = tpu.memref_slice %arg5[%add3A_214, %dma_wait3A_217] : memref<262144x64xf32, #tpu.memory_space<hbm>> -> memref<256x64xf32, #tpu.memory_space<hbm>>
    tpu.wait_dma2 semaphore(%arg21 : memref<!tpu.dma_semaphore, #tpu.memory_space<semaphore_mem>>) src(%arg9 : memref<256x64xf32, #tpu.memory_space<vmem>>) dst(%dma_wait3A_218 : memref<256x64xf32, #tpu.memory_space<hbm>>)
    %dma_start3A_219 = arith.constant 3328 : i32
    %dma_start3A_220 = tpu.memref_slice %arg6[%dma_start3A_219] : memref<8192xi32, #tpu.memory_space<vmem>> -> memref<256xi32, #tpu.memory_space<vmem>>
    %dma_start3A_221 = arith.constant 0 : i32
    %dma_start3A_222 = arith.constant 0 : i32
    %dma_start3A_223 = tpu.memref_slice %arg4[%dma_start3A_221, %dma_start3A_222] : memref<1600000x64xf32, #tpu.memory_space<hbm>> -> memref<1600000x64xf32, #tpu.memory_space<hbm>>
    tpu.enqueue_indirect_dma source(%dma_start3A_223 : memref<1600000x64xf32, #tpu.memory_space<hbm>>) target(%arg9 : memref<256x64xf32, #tpu.memory_space<vmem>>) offsets(%dma_start3A_220 : memref<256xi32, #tpu.memory_space<vmem>>) semaphore(%arg15 : memref<!tpu.dma_semaphore, #tpu.memory_space<semaphore_mem>>)
    %dma_wait3A_224 = arith.constant 2304 : i32
    %dma_wait3A_225 = tpu.memref_slice %arg6[%dma_wait3A_224] : memref<8192xi32, #tpu.memory_space<vmem>> -> memref<256xi32, #tpu.memory_space<vmem>>
    %dma_wait3A_226 = arith.constant 0 : i32
    %dma_wait3A_227 = arith.constant 0 : i32
    %dma_wait3A_228 = tpu.memref_slice %arg4[%dma_wait3A_226, %dma_wait3A_227] : memref<1600000x64xf32, #tpu.memory_space<hbm>> -> memref<1600000x64xf32, #tpu.memory_space<hbm>>
    tpu.wait_indirect_dma semaphore(%arg17 : memref<!tpu.dma_semaphore, #tpu.memory_space<semaphore_mem>>) src(%dma_wait3A_228 : memref<1600000x64xf32, #tpu.memory_space<hbm>>) dst(%arg11 : memref<256x64xf32, #tpu.memory_space<vmem>>)
    %add3A_229 = arith.constant 2304 : i32
    %add3A_230 = arith.addi %mul3A_2, %add3A_229 : i32
    %dma_start3A_231 = arith.constant 0 : i32
    %dma_start3A_232 = tpu.memref_slice %arg5[%add3A_230, %dma_start3A_231] : memref<262144x64xf32, #tpu.memory_space<hbm>> -> memref<256x64xf32, #tpu.memory_space<hbm>>
    %dma_start3A_233 = arith.constant 0 : i32
    %dma_start3A_234 = tpu.memref_slice %arg5[%add3A_230, %dma_start3A_233] : memref<262144x64xf32, #tpu.memory_space<hbm>> -> memref<256x64xf32, #tpu.memory_space<hbm>>
    tpu.enqueue_dma source(%arg11 : memref<256x64xf32, #tpu.memory_space<vmem>>) target(%dma_start3A_234 : memref<256x64xf32, #tpu.memory_space<hbm>>) target_semaphore(%arg23 : memref<!tpu.dma_semaphore, #tpu.memory_space<semaphore_mem>>)
    %add3A_235 = arith.constant 2048 : i32
    %add3A_236 = arith.addi %mul3A_2, %add3A_235 : i32
    %dma_wait3A_237 = arith.constant 0 : i32
    %dma_wait3A_238 = tpu.memref_slice %arg5[%add3A_236, %dma_wait3A_237] : memref<262144x64xf32, #tpu.memory_space<hbm>> -> memref<256x64xf32, #tpu.memory_space<hbm>>
    %dma_wait3A_239 = arith.constant 0 : i32
    %dma_wait3A_240 = tpu.memref_slice %arg5[%add3A_236, %dma_wait3A_239] : memref<262144x64xf32, #tpu.memory_space<hbm>> -> memref<256x64xf32, #tpu.memory_space<hbm>>
    tpu.wait_dma2 semaphore(%arg22 : memref<!tpu.dma_semaphore, #tpu.memory_space<semaphore_mem>>) src(%arg10 : memref<256x64xf32, #tpu.memory_space<vmem>>) dst(%dma_wait3A_240 : memref<256x64xf32, #tpu.memory_space<hbm>>)
    %dma_start3A_241 = arith.constant 3584 : i32
    %dma_start3A_242 = tpu.memref_slice %arg6[%dma_start3A_241] : memref<8192xi32, #tpu.memory_space<vmem>> -> memref<256xi32, #tpu.memory_space<vmem>>
    %dma_start3A_243 = arith.constant 0 : i32
    %dma_start3A_244 = arith.constant 0 : i32
    %dma_start3A_245 = tpu.memref_slice %arg4[%dma_start3A_243, %dma_start3A_244] : memref<1600000x64xf32, #tpu.memory_space<hbm>> -> memref<1600000x64xf32, #tpu.memory_space<hbm>>
    tpu.enqueue_indirect_dma source(%dma_start3A_245 : memref<1600000x64xf32, #tpu.memory_space<hbm>>) target(%arg10 : memref<256x64xf32, #tpu.memory_space<vmem>>) offsets(%dma_start3A_242 : memref<256xi32, #tpu.memory_space<vmem>>) semaphore(%arg16 : memref<!tpu.dma_semaphore, #tpu.memory_space<semaphore_mem>>)
    %dma_wait3A_246 = arith.constant 2560 : i32
    %dma_wait3A_247 = tpu.memref_slice %arg6[%dma_wait3A_246] : memref<8192xi32, #tpu.memory_space<vmem>> -> memref<256xi32, #tpu.memory_space<vmem>>
    %dma_wait3A_248 = arith.constant 0 : i32
    %dma_wait3A_249 = arith.constant 0 : i32
    %dma_wait3A_250 = tpu.memref_slice %arg4[%dma_wait3A_248, %dma_wait3A_249] : memref<1600000x64xf32, #tpu.memory_space<hbm>> -> memref<1600000x64xf32, #tpu.memory_space<hbm>>
    tpu.wait_indirect_dma semaphore(%arg18 : memref<!tpu.dma_semaphore, #tpu.memory_space<semaphore_mem>>) src(%dma_wait3A_250 : memref<1600000x64xf32, #tpu.memory_space<hbm>>) dst(%arg12 : memref<256x64xf32, #tpu.memory_space<vmem>>)
    %add3A_251 = arith.constant 2560 : i32
    %add3A_252 = arith.addi %mul3A_2, %add3A_251 : i32
    %dma_start3A_253 = arith.constant 0 : i32
    %dma_start3A_254 = tpu.memref_slice %arg5[%add3A_252, %dma_start3A_253] : memref<262144x64xf32, #tpu.memory_space<hbm>> -> memref<256x64xf32, #tpu.memory_space<hbm>>
    %dma_start3A_255 = arith.constant 0 : i32
    %dma_start3A_256 = tpu.memref_slice %arg5[%add3A_252, %dma_start3A_255] : memref<262144x64xf32, #tpu.memory_space<hbm>> -> memref<256x64xf32, #tpu.memory_space<hbm>>
    tpu.enqueue_dma source(%arg12 : memref<256x64xf32, #tpu.memory_space<vmem>>) target(%dma_start3A_256 : memref<256x64xf32, #tpu.memory_space<hbm>>) target_semaphore(%arg24 : memref<!tpu.dma_semaphore, #tpu.memory_space<semaphore_mem>>)
    %add3A_257 = arith.constant 2304 : i32
    %add3A_258 = arith.addi %mul3A_2, %add3A_257 : i32
    %dma_wait3A_259 = arith.constant 0 : i32
    %dma_wait3A_260 = tpu.memref_slice %arg5[%add3A_258, %dma_wait3A_259] : memref<262144x64xf32, #tpu.memory_space<hbm>> -> memref<256x64xf32, #tpu.memory_space<hbm>>
    %dma_wait3A_261 = arith.constant 0 : i32
    %dma_wait3A_262 = tpu.memref_slice %arg5[%add3A_258, %dma_wait3A_261] : memref<262144x64xf32, #tpu.memory_space<hbm>> -> memref<256x64xf32, #tpu.memory_space<hbm>>
    tpu.wait_dma2 semaphore(%arg23 : memref<!tpu.dma_semaphore, #tpu.memory_space<semaphore_mem>>) src(%arg11 : memref<256x64xf32, #tpu.memory_space<vmem>>) dst(%dma_wait3A_262 : memref<256x64xf32, #tpu.memory_space<hbm>>)
    %dma_start3A_263 = arith.constant 3840 : i32
    %dma_start3A_264 = tpu.memref_slice %arg6[%dma_start3A_263] : memref<8192xi32, #tpu.memory_space<vmem>> -> memref<256xi32, #tpu.memory_space<vmem>>
    %dma_start3A_265 = arith.constant 0 : i32
    %dma_start3A_266 = arith.constant 0 : i32
    %dma_start3A_267 = tpu.memref_slice %arg4[%dma_start3A_265, %dma_start3A_266] : memref<1600000x64xf32, #tpu.memory_space<hbm>> -> memref<1600000x64xf32, #tpu.memory_space<hbm>>
    tpu.enqueue_indirect_dma source(%dma_start3A_267 : memref<1600000x64xf32, #tpu.memory_space<hbm>>) target(%arg11 : memref<256x64xf32, #tpu.memory_space<vmem>>) offsets(%dma_start3A_264 : memref<256xi32, #tpu.memory_space<vmem>>) semaphore(%arg17 : memref<!tpu.dma_semaphore, #tpu.memory_space<semaphore_mem>>)
    %dma_wait3A_268 = arith.constant 2816 : i32
    %dma_wait3A_269 = tpu.memref_slice %arg6[%dma_wait3A_268] : memref<8192xi32, #tpu.memory_space<vmem>> -> memref<256xi32, #tpu.memory_space<vmem>>
    %dma_wait3A_270 = arith.constant 0 : i32
    %dma_wait3A_271 = arith.constant 0 : i32
    %dma_wait3A_272 = tpu.memref_slice %arg4[%dma_wait3A_270, %dma_wait3A_271] : memref<1600000x64xf32, #tpu.memory_space<hbm>> -> memref<1600000x64xf32, #tpu.memory_space<hbm>>
    tpu.wait_indirect_dma semaphore(%arg19 : memref<!tpu.dma_semaphore, #tpu.memory_space<semaphore_mem>>) src(%dma_wait3A_272 : memref<1600000x64xf32, #tpu.memory_space<hbm>>) dst(%arg13 : memref<256x64xf32, #tpu.memory_space<vmem>>)
    %add3A_273 = arith.constant 2816 : i32
    %add3A_274 = arith.addi %mul3A_2, %add3A_273 : i32
    %dma_start3A_275 = arith.constant 0 : i32
    %dma_start3A_276 = tpu.memref_slice %arg5[%add3A_274, %dma_start3A_275] : memref<262144x64xf32, #tpu.memory_space<hbm>> -> memref<256x64xf32, #tpu.memory_space<hbm>>
    %dma_start3A_277 = arith.constant 0 : i32
    %dma_start3A_278 = tpu.memref_slice %arg5[%add3A_274, %dma_start3A_277] : memref<262144x64xf32, #tpu.memory_space<hbm>> -> memref<256x64xf32, #tpu.memory_space<hbm>>
    tpu.enqueue_dma source(%arg13 : memref<256x64xf32, #tpu.memory_space<vmem>>) target(%dma_start3A_278 : memref<256x64xf32, #tpu.memory_space<hbm>>) target_semaphore(%arg25 : memref<!tpu.dma_semaphore, #tpu.memory_space<semaphore_mem>>)
    %add3A_279 = arith.constant 2560 : i32
    %add3A_280 = arith.addi %mul3A_2, %add3A_279 : i32
    %dma_wait3A_281 = arith.constant 0 : i32
    %dma_wait3A_282 = tpu.memref_slice %arg5[%add3A_280, %dma_wait3A_281] : memref<262144x64xf32, #tpu.memory_space<hbm>> -> memref<256x64xf32, #tpu.memory_space<hbm>>
    %dma_wait3A_283 = arith.constant 0 : i32
    %dma_wait3A_284 = tpu.memref_slice %arg5[%add3A_280, %dma_wait3A_283] : memref<262144x64xf32, #tpu.memory_space<hbm>> -> memref<256x64xf32, #tpu.memory_space<hbm>>
    tpu.wait_dma2 semaphore(%arg24 : memref<!tpu.dma_semaphore, #tpu.memory_space<semaphore_mem>>) src(%arg12 : memref<256x64xf32, #tpu.memory_space<vmem>>) dst(%dma_wait3A_284 : memref<256x64xf32, #tpu.memory_space<hbm>>)
    %dma_start3A_285 = arith.constant 4096 : i32
    %dma_start3A_286 = tpu.memref_slice %arg6[%dma_start3A_285] : memref<8192xi32, #tpu.memory_space<vmem>> -> memref<256xi32, #tpu.memory_space<vmem>>
    %dma_start3A_287 = arith.constant 0 : i32
    %dma_start3A_288 = arith.constant 0 : i32
    %dma_start3A_289 = tpu.memref_slice %arg4[%dma_start3A_287, %dma_start3A_288] : memref<1600000x64xf32, #tpu.memory_space<hbm>> -> memref<1600000x64xf32, #tpu.memory_space<hbm>>
    tpu.enqueue_indirect_dma source(%dma_start3A_289 : memref<1600000x64xf32, #tpu.memory_space<hbm>>) target(%arg12 : memref<256x64xf32, #tpu.memory_space<vmem>>) offsets(%dma_start3A_286 : memref<256xi32, #tpu.memory_space<vmem>>) semaphore(%arg18 : memref<!tpu.dma_semaphore, #tpu.memory_space<semaphore_mem>>)
    %dma_wait3A_290 = arith.constant 3072 : i32
    %dma_wait3A_291 = tpu.memref_slice %arg6[%dma_wait3A_290] : memref<8192xi32, #tpu.memory_space<vmem>> -> memref<256xi32, #tpu.memory_space<vmem>>
    %dma_wait3A_292 = arith.constant 0 : i32
    %dma_wait3A_293 = arith.constant 0 : i32
    %dma_wait3A_294 = tpu.memref_slice %arg4[%dma_wait3A_292, %dma_wait3A_293] : memref<1600000x64xf32, #tpu.memory_space<hbm>> -> memref<1600000x64xf32, #tpu.memory_space<hbm>>
    tpu.wait_indirect_dma semaphore(%arg14 : memref<!tpu.dma_semaphore, #tpu.memory_space<semaphore_mem>>) src(%dma_wait3A_294 : memref<1600000x64xf32, #tpu.memory_space<hbm>>) dst(%arg8 : memref<256x64xf32, #tpu.memory_space<vmem>>)
    %add3A_295 = arith.constant 3072 : i32
    %add3A_296 = arith.addi %mul3A_2, %add3A_295 : i32
    %dma_start3A_297 = arith.constant 0 : i32
    %dma_start3A_298 = tpu.memref_slice %arg5[%add3A_296, %dma_start3A_297] : memref<262144x64xf32, #tpu.memory_space<hbm>> -> memref<256x64xf32, #tpu.memory_space<hbm>>
    %dma_start3A_299 = arith.constant 0 : i32
    %dma_start3A_300 = tpu.memref_slice %arg5[%add3A_296, %dma_start3A_299] : memref<262144x64xf32, #tpu.memory_space<hbm>> -> memref<256x64xf32, #tpu.memory_space<hbm>>
    tpu.enqueue_dma source(%arg8 : memref<256x64xf32, #tpu.memory_space<vmem>>) target(%dma_start3A_300 : memref<256x64xf32, #tpu.memory_space<hbm>>) target_semaphore(%arg20 : memref<!tpu.dma_semaphore, #tpu.memory_space<semaphore_mem>>)
    %add3A_301 = arith.constant 2816 : i32
    %add3A_302 = arith.addi %mul3A_2, %add3A_301 : i32
    %dma_wait3A_303 = arith.constant 0 : i32
    %dma_wait3A_304 = tpu.memref_slice %arg5[%add3A_302, %dma_wait3A_303] : memref<262144x64xf32, #tpu.memory_space<hbm>> -> memref<256x64xf32, #tpu.memory_space<hbm>>
    %dma_wait3A_305 = arith.constant 0 : i32
    %dma_wait3A_306 = tpu.memref_slice %arg5[%add3A_302, %dma_wait3A_305] : memref<262144x64xf32, #tpu.memory_space<hbm>> -> memref<256x64xf32, #tpu.memory_space<hbm>>
    tpu.wait_dma2 semaphore(%arg25 : memref<!tpu.dma_semaphore, #tpu.memory_space<semaphore_mem>>) src(%arg13 : memref<256x64xf32, #tpu.memory_space<vmem>>) dst(%dma_wait3A_306 : memref<256x64xf32, #tpu.memory_space<hbm>>)
    %dma_start3A_307 = arith.constant 4352 : i32
    %dma_start3A_308 = tpu.memref_slice %arg6[%dma_start3A_307] : memref<8192xi32, #tpu.memory_space<vmem>> -> memref<256xi32, #tpu.memory_space<vmem>>
    %dma_start3A_309 = arith.constant 0 : i32
    %dma_start3A_310 = arith.constant 0 : i32
    %dma_start3A_311 = tpu.memref_slice %arg4[%dma_start3A_309, %dma_start3A_310] : memref<1600000x64xf32, #tpu.memory_space<hbm>> -> memref<1600000x64xf32, #tpu.memory_space<hbm>>
    tpu.enqueue_indirect_dma source(%dma_start3A_311 : memref<1600000x64xf32, #tpu.memory_space<hbm>>) target(%arg13 : memref<256x64xf32, #tpu.memory_space<vmem>>) offsets(%dma_start3A_308 : memref<256xi32, #tpu.memory_space<vmem>>) semaphore(%arg19 : memref<!tpu.dma_semaphore, #tpu.memory_space<semaphore_mem>>)
    %dma_wait3A_312 = arith.constant 3328 : i32
    %dma_wait3A_313 = tpu.memref_slice %arg6[%dma_wait3A_312] : memref<8192xi32, #tpu.memory_space<vmem>> -> memref<256xi32, #tpu.memory_space<vmem>>
    %dma_wait3A_314 = arith.constant 0 : i32
    %dma_wait3A_315 = arith.constant 0 : i32
    %dma_wait3A_316 = tpu.memref_slice %arg4[%dma_wait3A_314, %dma_wait3A_315] : memref<1600000x64xf32, #tpu.memory_space<hbm>> -> memref<1600000x64xf32, #tpu.memory_space<hbm>>
    tpu.wait_indirect_dma semaphore(%arg15 : memref<!tpu.dma_semaphore, #tpu.memory_space<semaphore_mem>>) src(%dma_wait3A_316 : memref<1600000x64xf32, #tpu.memory_space<hbm>>) dst(%arg9 : memref<256x64xf32, #tpu.memory_space<vmem>>)
    %add3A_317 = arith.constant 3328 : i32
    %add3A_318 = arith.addi %mul3A_2, %add3A_317 : i32
    %dma_start3A_319 = arith.constant 0 : i32
    %dma_start3A_320 = tpu.memref_slice %arg5[%add3A_318, %dma_start3A_319] : memref<262144x64xf32, #tpu.memory_space<hbm>> -> memref<256x64xf32, #tpu.memory_space<hbm>>
    %dma_start3A_321 = arith.constant 0 : i32
    %dma_start3A_322 = tpu.memref_slice %arg5[%add3A_318, %dma_start3A_321] : memref<262144x64xf32, #tpu.memory_space<hbm>> -> memref<256x64xf32, #tpu.memory_space<hbm>>
    tpu.enqueue_dma source(%arg9 : memref<256x64xf32, #tpu.memory_space<vmem>>) target(%dma_start3A_322 : memref<256x64xf32, #tpu.memory_space<hbm>>) target_semaphore(%arg21 : memref<!tpu.dma_semaphore, #tpu.memory_space<semaphore_mem>>)
    %add3A_323 = arith.constant 3072 : i32
    %add3A_324 = arith.addi %mul3A_2, %add3A_323 : i32
    %dma_wait3A_325 = arith.constant 0 : i32
    %dma_wait3A_326 = tpu.memref_slice %arg5[%add3A_324, %dma_wait3A_325] : memref<262144x64xf32, #tpu.memory_space<hbm>> -> memref<256x64xf32, #tpu.memory_space<hbm>>
    %dma_wait3A_327 = arith.constant 0 : i32
    %dma_wait3A_328 = tpu.memref_slice %arg5[%add3A_324, %dma_wait3A_327] : memref<262144x64xf32, #tpu.memory_space<hbm>> -> memref<256x64xf32, #tpu.memory_space<hbm>>
    tpu.wait_dma2 semaphore(%arg20 : memref<!tpu.dma_semaphore, #tpu.memory_space<semaphore_mem>>) src(%arg8 : memref<256x64xf32, #tpu.memory_space<vmem>>) dst(%dma_wait3A_328 : memref<256x64xf32, #tpu.memory_space<hbm>>)
    %dma_start3A_329 = arith.constant 4608 : i32
    %dma_start3A_330 = tpu.memref_slice %arg6[%dma_start3A_329] : memref<8192xi32, #tpu.memory_space<vmem>> -> memref<256xi32, #tpu.memory_space<vmem>>
    %dma_start3A_331 = arith.constant 0 : i32
    %dma_start3A_332 = arith.constant 0 : i32
    %dma_start3A_333 = tpu.memref_slice %arg4[%dma_start3A_331, %dma_start3A_332] : memref<1600000x64xf32, #tpu.memory_space<hbm>> -> memref<1600000x64xf32, #tpu.memory_space<hbm>>
    tpu.enqueue_indirect_dma source(%dma_start3A_333 : memref<1600000x64xf32, #tpu.memory_space<hbm>>) target(%arg8 : memref<256x64xf32, #tpu.memory_space<vmem>>) offsets(%dma_start3A_330 : memref<256xi32, #tpu.memory_space<vmem>>) semaphore(%arg14 : memref<!tpu.dma_semaphore, #tpu.memory_space<semaphore_mem>>)
    %dma_wait3A_334 = arith.constant 3584 : i32
    %dma_wait3A_335 = tpu.memref_slice %arg6[%dma_wait3A_334] : memref<8192xi32, #tpu.memory_space<vmem>> -> memref<256xi32, #tpu.memory_space<vmem>>
    %dma_wait3A_336 = arith.constant 0 : i32
    %dma_wait3A_337 = arith.constant 0 : i32
    %dma_wait3A_338 = tpu.memref_slice %arg4[%dma_wait3A_336, %dma_wait3A_337] : memref<1600000x64xf32, #tpu.memory_space<hbm>> -> memref<1600000x64xf32, #tpu.memory_space<hbm>>
    tpu.wait_indirect_dma semaphore(%arg16 : memref<!tpu.dma_semaphore, #tpu.memory_space<semaphore_mem>>) src(%dma_wait3A_338 : memref<1600000x64xf32, #tpu.memory_space<hbm>>) dst(%arg10 : memref<256x64xf32, #tpu.memory_space<vmem>>)
    %add3A_339 = arith.constant 3584 : i32
    %add3A_340 = arith.addi %mul3A_2, %add3A_339 : i32
    %dma_start3A_341 = arith.constant 0 : i32
    %dma_start3A_342 = tpu.memref_slice %arg5[%add3A_340, %dma_start3A_341] : memref<262144x64xf32, #tpu.memory_space<hbm>> -> memref<256x64xf32, #tpu.memory_space<hbm>>
    %dma_start3A_343 = arith.constant 0 : i32
    %dma_start3A_344 = tpu.memref_slice %arg5[%add3A_340, %dma_start3A_343] : memref<262144x64xf32, #tpu.memory_space<hbm>> -> memref<256x64xf32, #tpu.memory_space<hbm>>
    tpu.enqueue_dma source(%arg10 : memref<256x64xf32, #tpu.memory_space<vmem>>) target(%dma_start3A_344 : memref<256x64xf32, #tpu.memory_space<hbm>>) target_semaphore(%arg22 : memref<!tpu.dma_semaphore, #tpu.memory_space<semaphore_mem>>)
    %add3A_345 = arith.constant 3328 : i32
    %add3A_346 = arith.addi %mul3A_2, %add3A_345 : i32
    %dma_wait3A_347 = arith.constant 0 : i32
    %dma_wait3A_348 = tpu.memref_slice %arg5[%add3A_346, %dma_wait3A_347] : memref<262144x64xf32, #tpu.memory_space<hbm>> -> memref<256x64xf32, #tpu.memory_space<hbm>>
    %dma_wait3A_349 = arith.constant 0 : i32
    %dma_wait3A_350 = tpu.memref_slice %arg5[%add3A_346, %dma_wait3A_349] : memref<262144x64xf32, #tpu.memory_space<hbm>> -> memref<256x64xf32, #tpu.memory_space<hbm>>
    tpu.wait_dma2 semaphore(%arg21 : memref<!tpu.dma_semaphore, #tpu.memory_space<semaphore_mem>>) src(%arg9 : memref<256x64xf32, #tpu.memory_space<vmem>>) dst(%dma_wait3A_350 : memref<256x64xf32, #tpu.memory_space<hbm>>)
    %dma_start3A_351 = arith.constant 4864 : i32
    %dma_start3A_352 = tpu.memref_slice %arg6[%dma_start3A_351] : memref<8192xi32, #tpu.memory_space<vmem>> -> memref<256xi32, #tpu.memory_space<vmem>>
    %dma_start3A_353 = arith.constant 0 : i32
    %dma_start3A_354 = arith.constant 0 : i32
    %dma_start3A_355 = tpu.memref_slice %arg4[%dma_start3A_353, %dma_start3A_354] : memref<1600000x64xf32, #tpu.memory_space<hbm>> -> memref<1600000x64xf32, #tpu.memory_space<hbm>>
    tpu.enqueue_indirect_dma source(%dma_start3A_355 : memref<1600000x64xf32, #tpu.memory_space<hbm>>) target(%arg9 : memref<256x64xf32, #tpu.memory_space<vmem>>) offsets(%dma_start3A_352 : memref<256xi32, #tpu.memory_space<vmem>>) semaphore(%arg15 : memref<!tpu.dma_semaphore, #tpu.memory_space<semaphore_mem>>)
    %dma_wait3A_356 = arith.constant 3840 : i32
    %dma_wait3A_357 = tpu.memref_slice %arg6[%dma_wait3A_356] : memref<8192xi32, #tpu.memory_space<vmem>> -> memref<256xi32, #tpu.memory_space<vmem>>
    %dma_wait3A_358 = arith.constant 0 : i32
    %dma_wait3A_359 = arith.constant 0 : i32
    %dma_wait3A_360 = tpu.memref_slice %arg4[%dma_wait3A_358, %dma_wait3A_359] : memref<1600000x64xf32, #tpu.memory_space<hbm>> -> memref<1600000x64xf32, #tpu.memory_space<hbm>>
    tpu.wait_indirect_dma semaphore(%arg17 : memref<!tpu.dma_semaphore, #tpu.memory_space<semaphore_mem>>) src(%dma_wait3A_360 : memref<1600000x64xf32, #tpu.memory_space<hbm>>) dst(%arg11 : memref<256x64xf32, #tpu.memory_space<vmem>>)
    %add3A_361 = arith.constant 3840 : i32
    %add3A_362 = arith.addi %mul3A_2, %add3A_361 : i32
    %dma_start3A_363 = arith.constant 0 : i32
    %dma_start3A_364 = tpu.memref_slice %arg5[%add3A_362, %dma_start3A_363] : memref<262144x64xf32, #tpu.memory_space<hbm>> -> memref<256x64xf32, #tpu.memory_space<hbm>>
    %dma_start3A_365 = arith.constant 0 : i32
    %dma_start3A_366 = tpu.memref_slice %arg5[%add3A_362, %dma_start3A_365] : memref<262144x64xf32, #tpu.memory_space<hbm>> -> memref<256x64xf32, #tpu.memory_space<hbm>>
    tpu.enqueue_dma source(%arg11 : memref<256x64xf32, #tpu.memory_space<vmem>>) target(%dma_start3A_366 : memref<256x64xf32, #tpu.memory_space<hbm>>) target_semaphore(%arg23 : memref<!tpu.dma_semaphore, #tpu.memory_space<semaphore_mem>>)
    %add3A_367 = arith.constant 3584 : i32
    %add3A_368 = arith.addi %mul3A_2, %add3A_367 : i32
    %dma_wait3A_369 = arith.constant 0 : i32
    %dma_wait3A_370 = tpu.memref_slice %arg5[%add3A_368, %dma_wait3A_369] : memref<262144x64xf32, #tpu.memory_space<hbm>> -> memref<256x64xf32, #tpu.memory_space<hbm>>
    %dma_wait3A_371 = arith.constant 0 : i32
    %dma_wait3A_372 = tpu.memref_slice %arg5[%add3A_368, %dma_wait3A_371] : memref<262144x64xf32, #tpu.memory_space<hbm>> -> memref<256x64xf32, #tpu.memory_space<hbm>>
    tpu.wait_dma2 semaphore(%arg22 : memref<!tpu.dma_semaphore, #tpu.memory_space<semaphore_mem>>) src(%arg10 : memref<256x64xf32, #tpu.memory_space<vmem>>) dst(%dma_wait3A_372 : memref<256x64xf32, #tpu.memory_space<hbm>>)
    %dma_start3A_373 = arith.constant 5120 : i32
    %dma_start3A_374 = tpu.memref_slice %arg6[%dma_start3A_373] : memref<8192xi32, #tpu.memory_space<vmem>> -> memref<256xi32, #tpu.memory_space<vmem>>
    %dma_start3A_375 = arith.constant 0 : i32
    %dma_start3A_376 = arith.constant 0 : i32
    %dma_start3A_377 = tpu.memref_slice %arg4[%dma_start3A_375, %dma_start3A_376] : memref<1600000x64xf32, #tpu.memory_space<hbm>> -> memref<1600000x64xf32, #tpu.memory_space<hbm>>
    tpu.enqueue_indirect_dma source(%dma_start3A_377 : memref<1600000x64xf32, #tpu.memory_space<hbm>>) target(%arg10 : memref<256x64xf32, #tpu.memory_space<vmem>>) offsets(%dma_start3A_374 : memref<256xi32, #tpu.memory_space<vmem>>) semaphore(%arg16 : memref<!tpu.dma_semaphore, #tpu.memory_space<semaphore_mem>>)
    %dma_wait3A_378 = arith.constant 4096 : i32
    %dma_wait3A_379 = tpu.memref_slice %arg6[%dma_wait3A_378] : memref<8192xi32, #tpu.memory_space<vmem>> -> memref<256xi32, #tpu.memory_space<vmem>>
    %dma_wait3A_380 = arith.constant 0 : i32
    %dma_wait3A_381 = arith.constant 0 : i32
    %dma_wait3A_382 = tpu.memref_slice %arg4[%dma_wait3A_380, %dma_wait3A_381] : memref<1600000x64xf32, #tpu.memory_space<hbm>> -> memref<1600000x64xf32, #tpu.memory_space<hbm>>
    tpu.wait_indirect_dma semaphore(%arg18 : memref<!tpu.dma_semaphore, #tpu.memory_space<semaphore_mem>>) src(%dma_wait3A_382 : memref<1600000x64xf32, #tpu.memory_space<hbm>>) dst(%arg12 : memref<256x64xf32, #tpu.memory_space<vmem>>)
    %add3A_383 = arith.constant 4096 : i32
    %add3A_384 = arith.addi %mul3A_2, %add3A_383 : i32
    %dma_start3A_385 = arith.constant 0 : i32
    %dma_start3A_386 = tpu.memref_slice %arg5[%add3A_384, %dma_start3A_385] : memref<262144x64xf32, #tpu.memory_space<hbm>> -> memref<256x64xf32, #tpu.memory_space<hbm>>
    %dma_start3A_387 = arith.constant 0 : i32
    %dma_start3A_388 = tpu.memref_slice %arg5[%add3A_384, %dma_start3A_387] : memref<262144x64xf32, #tpu.memory_space<hbm>> -> memref<256x64xf32, #tpu.memory_space<hbm>>
    tpu.enqueue_dma source(%arg12 : memref<256x64xf32, #tpu.memory_space<vmem>>) target(%dma_start3A_388 : memref<256x64xf32, #tpu.memory_space<hbm>>) target_semaphore(%arg24 : memref<!tpu.dma_semaphore, #tpu.memory_space<semaphore_mem>>)
    %add3A_389 = arith.constant 3840 : i32
    %add3A_390 = arith.addi %mul3A_2, %add3A_389 : i32
    %dma_wait3A_391 = arith.constant 0 : i32
    %dma_wait3A_392 = tpu.memref_slice %arg5[%add3A_390, %dma_wait3A_391] : memref<262144x64xf32, #tpu.memory_space<hbm>> -> memref<256x64xf32, #tpu.memory_space<hbm>>
    %dma_wait3A_393 = arith.constant 0 : i32
    %dma_wait3A_394 = tpu.memref_slice %arg5[%add3A_390, %dma_wait3A_393] : memref<262144x64xf32, #tpu.memory_space<hbm>> -> memref<256x64xf32, #tpu.memory_space<hbm>>
    tpu.wait_dma2 semaphore(%arg23 : memref<!tpu.dma_semaphore, #tpu.memory_space<semaphore_mem>>) src(%arg11 : memref<256x64xf32, #tpu.memory_space<vmem>>) dst(%dma_wait3A_394 : memref<256x64xf32, #tpu.memory_space<hbm>>)
    %dma_start3A_395 = arith.constant 5376 : i32
    %dma_start3A_396 = tpu.memref_slice %arg6[%dma_start3A_395] : memref<8192xi32, #tpu.memory_space<vmem>> -> memref<256xi32, #tpu.memory_space<vmem>>
    %dma_start3A_397 = arith.constant 0 : i32
    %dma_start3A_398 = arith.constant 0 : i32
    %dma_start3A_399 = tpu.memref_slice %arg4[%dma_start3A_397, %dma_start3A_398] : memref<1600000x64xf32, #tpu.memory_space<hbm>> -> memref<1600000x64xf32, #tpu.memory_space<hbm>>
    tpu.enqueue_indirect_dma source(%dma_start3A_399 : memref<1600000x64xf32, #tpu.memory_space<hbm>>) target(%arg11 : memref<256x64xf32, #tpu.memory_space<vmem>>) offsets(%dma_start3A_396 : memref<256xi32, #tpu.memory_space<vmem>>) semaphore(%arg17 : memref<!tpu.dma_semaphore, #tpu.memory_space<semaphore_mem>>)
    %dma_wait3A_400 = arith.constant 4352 : i32
    %dma_wait3A_401 = tpu.memref_slice %arg6[%dma_wait3A_400] : memref<8192xi32, #tpu.memory_space<vmem>> -> memref<256xi32, #tpu.memory_space<vmem>>
    %dma_wait3A_402 = arith.constant 0 : i32
    %dma_wait3A_403 = arith.constant 0 : i32
    %dma_wait3A_404 = tpu.memref_slice %arg4[%dma_wait3A_402, %dma_wait3A_403] : memref<1600000x64xf32, #tpu.memory_space<hbm>> -> memref<1600000x64xf32, #tpu.memory_space<hbm>>
    tpu.wait_indirect_dma semaphore(%arg19 : memref<!tpu.dma_semaphore, #tpu.memory_space<semaphore_mem>>) src(%dma_wait3A_404 : memref<1600000x64xf32, #tpu.memory_space<hbm>>) dst(%arg13 : memref<256x64xf32, #tpu.memory_space<vmem>>)
    %add3A_405 = arith.constant 4352 : i32
    %add3A_406 = arith.addi %mul3A_2, %add3A_405 : i32
    %dma_start3A_407 = arith.constant 0 : i32
    %dma_start3A_408 = tpu.memref_slice %arg5[%add3A_406, %dma_start3A_407] : memref<262144x64xf32, #tpu.memory_space<hbm>> -> memref<256x64xf32, #tpu.memory_space<hbm>>
    %dma_start3A_409 = arith.constant 0 : i32
    %dma_start3A_410 = tpu.memref_slice %arg5[%add3A_406, %dma_start3A_409] : memref<262144x64xf32, #tpu.memory_space<hbm>> -> memref<256x64xf32, #tpu.memory_space<hbm>>
    tpu.enqueue_dma source(%arg13 : memref<256x64xf32, #tpu.memory_space<vmem>>) target(%dma_start3A_410 : memref<256x64xf32, #tpu.memory_space<hbm>>) target_semaphore(%arg25 : memref<!tpu.dma_semaphore, #tpu.memory_space<semaphore_mem>>)
    %add3A_411 = arith.constant 4096 : i32
    %add3A_412 = arith.addi %mul3A_2, %add3A_411 : i32
    %dma_wait3A_413 = arith.constant 0 : i32
    %dma_wait3A_414 = tpu.memref_slice %arg5[%add3A_412, %dma_wait3A_413] : memref<262144x64xf32, #tpu.memory_space<hbm>> -> memref<256x64xf32, #tpu.memory_space<hbm>>
    %dma_wait3A_415 = arith.constant 0 : i32
    %dma_wait3A_416 = tpu.memref_slice %arg5[%add3A_412, %dma_wait3A_415] : memref<262144x64xf32, #tpu.memory_space<hbm>> -> memref<256x64xf32, #tpu.memory_space<hbm>>
    tpu.wait_dma2 semaphore(%arg24 : memref<!tpu.dma_semaphore, #tpu.memory_space<semaphore_mem>>) src(%arg12 : memref<256x64xf32, #tpu.memory_space<vmem>>) dst(%dma_wait3A_416 : memref<256x64xf32, #tpu.memory_space<hbm>>)
    %dma_start3A_417 = arith.constant 5632 : i32
    %dma_start3A_418 = tpu.memref_slice %arg6[%dma_start3A_417] : memref<8192xi32, #tpu.memory_space<vmem>> -> memref<256xi32, #tpu.memory_space<vmem>>
    %dma_start3A_419 = arith.constant 0 : i32
    %dma_start3A_420 = arith.constant 0 : i32
    %dma_start3A_421 = tpu.memref_slice %arg4[%dma_start3A_419, %dma_start3A_420] : memref<1600000x64xf32, #tpu.memory_space<hbm>> -> memref<1600000x64xf32, #tpu.memory_space<hbm>>
    tpu.enqueue_indirect_dma source(%dma_start3A_421 : memref<1600000x64xf32, #tpu.memory_space<hbm>>) target(%arg12 : memref<256x64xf32, #tpu.memory_space<vmem>>) offsets(%dma_start3A_418 : memref<256xi32, #tpu.memory_space<vmem>>) semaphore(%arg18 : memref<!tpu.dma_semaphore, #tpu.memory_space<semaphore_mem>>)
    %dma_wait3A_422 = arith.constant 4608 : i32
    %dma_wait3A_423 = tpu.memref_slice %arg6[%dma_wait3A_422] : memref<8192xi32, #tpu.memory_space<vmem>> -> memref<256xi32, #tpu.memory_space<vmem>>
    %dma_wait3A_424 = arith.constant 0 : i32
    %dma_wait3A_425 = arith.constant 0 : i32
    %dma_wait3A_426 = tpu.memref_slice %arg4[%dma_wait3A_424, %dma_wait3A_425] : memref<1600000x64xf32, #tpu.memory_space<hbm>> -> memref<1600000x64xf32, #tpu.memory_space<hbm>>
    tpu.wait_indirect_dma semaphore(%arg14 : memref<!tpu.dma_semaphore, #tpu.memory_space<semaphore_mem>>) src(%dma_wait3A_426 : memref<1600000x64xf32, #tpu.memory_space<hbm>>) dst(%arg8 : memref<256x64xf32, #tpu.memory_space<vmem>>)
    %add3A_427 = arith.constant 4608 : i32
    %add3A_428 = arith.addi %mul3A_2, %add3A_427 : i32
    %dma_start3A_429 = arith.constant 0 : i32
    %dma_start3A_430 = tpu.memref_slice %arg5[%add3A_428, %dma_start3A_429] : memref<262144x64xf32, #tpu.memory_space<hbm>> -> memref<256x64xf32, #tpu.memory_space<hbm>>
    %dma_start3A_431 = arith.constant 0 : i32
    %dma_start3A_432 = tpu.memref_slice %arg5[%add3A_428, %dma_start3A_431] : memref<262144x64xf32, #tpu.memory_space<hbm>> -> memref<256x64xf32, #tpu.memory_space<hbm>>
    tpu.enqueue_dma source(%arg8 : memref<256x64xf32, #tpu.memory_space<vmem>>) target(%dma_start3A_432 : memref<256x64xf32, #tpu.memory_space<hbm>>) target_semaphore(%arg20 : memref<!tpu.dma_semaphore, #tpu.memory_space<semaphore_mem>>)
    %add3A_433 = arith.constant 4352 : i32
    %add3A_434 = arith.addi %mul3A_2, %add3A_433 : i32
    %dma_wait3A_435 = arith.constant 0 : i32
    %dma_wait3A_436 = tpu.memref_slice %arg5[%add3A_434, %dma_wait3A_435] : memref<262144x64xf32, #tpu.memory_space<hbm>> -> memref<256x64xf32, #tpu.memory_space<hbm>>
    %dma_wait3A_437 = arith.constant 0 : i32
    %dma_wait3A_438 = tpu.memref_slice %arg5[%add3A_434, %dma_wait3A_437] : memref<262144x64xf32, #tpu.memory_space<hbm>> -> memref<256x64xf32, #tpu.memory_space<hbm>>
    tpu.wait_dma2 semaphore(%arg25 : memref<!tpu.dma_semaphore, #tpu.memory_space<semaphore_mem>>) src(%arg13 : memref<256x64xf32, #tpu.memory_space<vmem>>) dst(%dma_wait3A_438 : memref<256x64xf32, #tpu.memory_space<hbm>>)
    %dma_start3A_439 = arith.constant 5888 : i32
    %dma_start3A_440 = tpu.memref_slice %arg6[%dma_start3A_439] : memref<8192xi32, #tpu.memory_space<vmem>> -> memref<256xi32, #tpu.memory_space<vmem>>
    %dma_start3A_441 = arith.constant 0 : i32
    %dma_start3A_442 = arith.constant 0 : i32
    %dma_start3A_443 = tpu.memref_slice %arg4[%dma_start3A_441, %dma_start3A_442] : memref<1600000x64xf32, #tpu.memory_space<hbm>> -> memref<1600000x64xf32, #tpu.memory_space<hbm>>
    tpu.enqueue_indirect_dma source(%dma_start3A_443 : memref<1600000x64xf32, #tpu.memory_space<hbm>>) target(%arg13 : memref<256x64xf32, #tpu.memory_space<vmem>>) offsets(%dma_start3A_440 : memref<256xi32, #tpu.memory_space<vmem>>) semaphore(%arg19 : memref<!tpu.dma_semaphore, #tpu.memory_space<semaphore_mem>>)
    %dma_wait3A_444 = arith.constant 4864 : i32
    %dma_wait3A_445 = tpu.memref_slice %arg6[%dma_wait3A_444] : memref<8192xi32, #tpu.memory_space<vmem>> -> memref<256xi32, #tpu.memory_space<vmem>>
    %dma_wait3A_446 = arith.constant 0 : i32
    %dma_wait3A_447 = arith.constant 0 : i32
    %dma_wait3A_448 = tpu.memref_slice %arg4[%dma_wait3A_446, %dma_wait3A_447] : memref<1600000x64xf32, #tpu.memory_space<hbm>> -> memref<1600000x64xf32, #tpu.memory_space<hbm>>
    tpu.wait_indirect_dma semaphore(%arg15 : memref<!tpu.dma_semaphore, #tpu.memory_space<semaphore_mem>>) src(%dma_wait3A_448 : memref<1600000x64xf32, #tpu.memory_space<hbm>>) dst(%arg9 : memref<256x64xf32, #tpu.memory_space<vmem>>)
    %add3A_449 = arith.constant 4864 : i32
    %add3A_450 = arith.addi %mul3A_2, %add3A_449 : i32
    %dma_start3A_451 = arith.constant 0 : i32
    %dma_start3A_452 = tpu.memref_slice %arg5[%add3A_450, %dma_start3A_451] : memref<262144x64xf32, #tpu.memory_space<hbm>> -> memref<256x64xf32, #tpu.memory_space<hbm>>
    %dma_start3A_453 = arith.constant 0 : i32
    %dma_start3A_454 = tpu.memref_slice %arg5[%add3A_450, %dma_start3A_453] : memref<262144x64xf32, #tpu.memory_space<hbm>> -> memref<256x64xf32, #tpu.memory_space<hbm>>
    tpu.enqueue_dma source(%arg9 : memref<256x64xf32, #tpu.memory_space<vmem>>) target(%dma_start3A_454 : memref<256x64xf32, #tpu.memory_space<hbm>>) target_semaphore(%arg21 : memref<!tpu.dma_semaphore, #tpu.memory_space<semaphore_mem>>)
    %add3A_455 = arith.constant 4608 : i32
    %add3A_456 = arith.addi %mul3A_2, %add3A_455 : i32
    %dma_wait3A_457 = arith.constant 0 : i32
    %dma_wait3A_458 = tpu.memref_slice %arg5[%add3A_456, %dma_wait3A_457] : memref<262144x64xf32, #tpu.memory_space<hbm>> -> memref<256x64xf32, #tpu.memory_space<hbm>>
    %dma_wait3A_459 = arith.constant 0 : i32
    %dma_wait3A_460 = tpu.memref_slice %arg5[%add3A_456, %dma_wait3A_459] : memref<262144x64xf32, #tpu.memory_space<hbm>> -> memref<256x64xf32, #tpu.memory_space<hbm>>
    tpu.wait_dma2 semaphore(%arg20 : memref<!tpu.dma_semaphore, #tpu.memory_space<semaphore_mem>>) src(%arg8 : memref<256x64xf32, #tpu.memory_space<vmem>>) dst(%dma_wait3A_460 : memref<256x64xf32, #tpu.memory_space<hbm>>)
    %dma_start3A_461 = arith.constant 6144 : i32
    %dma_start3A_462 = tpu.memref_slice %arg6[%dma_start3A_461] : memref<8192xi32, #tpu.memory_space<vmem>> -> memref<256xi32, #tpu.memory_space<vmem>>
    %dma_start3A_463 = arith.constant 0 : i32
    %dma_start3A_464 = arith.constant 0 : i32
    %dma_start3A_465 = tpu.memref_slice %arg4[%dma_start3A_463, %dma_start3A_464] : memref<1600000x64xf32, #tpu.memory_space<hbm>> -> memref<1600000x64xf32, #tpu.memory_space<hbm>>
    tpu.enqueue_indirect_dma source(%dma_start3A_465 : memref<1600000x64xf32, #tpu.memory_space<hbm>>) target(%arg8 : memref<256x64xf32, #tpu.memory_space<vmem>>) offsets(%dma_start3A_462 : memref<256xi32, #tpu.memory_space<vmem>>) semaphore(%arg14 : memref<!tpu.dma_semaphore, #tpu.memory_space<semaphore_mem>>)
    %dma_wait3A_466 = arith.constant 5120 : i32
    %dma_wait3A_467 = tpu.memref_slice %arg6[%dma_wait3A_466] : memref<8192xi32, #tpu.memory_space<vmem>> -> memref<256xi32, #tpu.memory_space<vmem>>
    %dma_wait3A_468 = arith.constant 0 : i32
    %dma_wait3A_469 = arith.constant 0 : i32
    %dma_wait3A_470 = tpu.memref_slice %arg4[%dma_wait3A_468, %dma_wait3A_469] : memref<1600000x64xf32, #tpu.memory_space<hbm>> -> memref<1600000x64xf32, #tpu.memory_space<hbm>>
    tpu.wait_indirect_dma semaphore(%arg16 : memref<!tpu.dma_semaphore, #tpu.memory_space<semaphore_mem>>) src(%dma_wait3A_470 : memref<1600000x64xf32, #tpu.memory_space<hbm>>) dst(%arg10 : memref<256x64xf32, #tpu.memory_space<vmem>>)
    %add3A_471 = arith.constant 5120 : i32
    %add3A_472 = arith.addi %mul3A_2, %add3A_471 : i32
    %dma_start3A_473 = arith.constant 0 : i32
    %dma_start3A_474 = tpu.memref_slice %arg5[%add3A_472, %dma_start3A_473] : memref<262144x64xf32, #tpu.memory_space<hbm>> -> memref<256x64xf32, #tpu.memory_space<hbm>>
    %dma_start3A_475 = arith.constant 0 : i32
    %dma_start3A_476 = tpu.memref_slice %arg5[%add3A_472, %dma_start3A_475] : memref<262144x64xf32, #tpu.memory_space<hbm>> -> memref<256x64xf32, #tpu.memory_space<hbm>>
    tpu.enqueue_dma source(%arg10 : memref<256x64xf32, #tpu.memory_space<vmem>>) target(%dma_start3A_476 : memref<256x64xf32, #tpu.memory_space<hbm>>) target_semaphore(%arg22 : memref<!tpu.dma_semaphore, #tpu.memory_space<semaphore_mem>>)
    %add3A_477 = arith.constant 4864 : i32
    %add3A_478 = arith.addi %mul3A_2, %add3A_477 : i32
    %dma_wait3A_479 = arith.constant 0 : i32
    %dma_wait3A_480 = tpu.memref_slice %arg5[%add3A_478, %dma_wait3A_479] : memref<262144x64xf32, #tpu.memory_space<hbm>> -> memref<256x64xf32, #tpu.memory_space<hbm>>
    %dma_wait3A_481 = arith.constant 0 : i32
    %dma_wait3A_482 = tpu.memref_slice %arg5[%add3A_478, %dma_wait3A_481] : memref<262144x64xf32, #tpu.memory_space<hbm>> -> memref<256x64xf32, #tpu.memory_space<hbm>>
    tpu.wait_dma2 semaphore(%arg21 : memref<!tpu.dma_semaphore, #tpu.memory_space<semaphore_mem>>) src(%arg9 : memref<256x64xf32, #tpu.memory_space<vmem>>) dst(%dma_wait3A_482 : memref<256x64xf32, #tpu.memory_space<hbm>>)
    %dma_start3A_483 = arith.constant 6400 : i32
    %dma_start3A_484 = tpu.memref_slice %arg6[%dma_start3A_483] : memref<8192xi32, #tpu.memory_space<vmem>> -> memref<256xi32, #tpu.memory_space<vmem>>
    %dma_start3A_485 = arith.constant 0 : i32
    %dma_start3A_486 = arith.constant 0 : i32
    %dma_start3A_487 = tpu.memref_slice %arg4[%dma_start3A_485, %dma_start3A_486] : memref<1600000x64xf32, #tpu.memory_space<hbm>> -> memref<1600000x64xf32, #tpu.memory_space<hbm>>
    tpu.enqueue_indirect_dma source(%dma_start3A_487 : memref<1600000x64xf32, #tpu.memory_space<hbm>>) target(%arg9 : memref<256x64xf32, #tpu.memory_space<vmem>>) offsets(%dma_start3A_484 : memref<256xi32, #tpu.memory_space<vmem>>) semaphore(%arg15 : memref<!tpu.dma_semaphore, #tpu.memory_space<semaphore_mem>>)
    %dma_wait3A_488 = arith.constant 5376 : i32
    %dma_wait3A_489 = tpu.memref_slice %arg6[%dma_wait3A_488] : memref<8192xi32, #tpu.memory_space<vmem>> -> memref<256xi32, #tpu.memory_space<vmem>>
    %dma_wait3A_490 = arith.constant 0 : i32
    %dma_wait3A_491 = arith.constant 0 : i32
    %dma_wait3A_492 = tpu.memref_slice %arg4[%dma_wait3A_490, %dma_wait3A_491] : memref<1600000x64xf32, #tpu.memory_space<hbm>> -> memref<1600000x64xf32, #tpu.memory_space<hbm>>
    tpu.wait_indirect_dma semaphore(%arg17 : memref<!tpu.dma_semaphore, #tpu.memory_space<semaphore_mem>>) src(%dma_wait3A_492 : memref<1600000x64xf32, #tpu.memory_space<hbm>>) dst(%arg11 : memref<256x64xf32, #tpu.memory_space<vmem>>)
    %add3A_493 = arith.constant 5376 : i32
    %add3A_494 = arith.addi %mul3A_2, %add3A_493 : i32
    %dma_start3A_495 = arith.constant 0 : i32
    %dma_start3A_496 = tpu.memref_slice %arg5[%add3A_494, %dma_start3A_495] : memref<262144x64xf32, #tpu.memory_space<hbm>> -> memref<256x64xf32, #tpu.memory_space<hbm>>
    %dma_start3A_497 = arith.constant 0 : i32
    %dma_start3A_498 = tpu.memref_slice %arg5[%add3A_494, %dma_start3A_497] : memref<262144x64xf32, #tpu.memory_space<hbm>> -> memref<256x64xf32, #tpu.memory_space<hbm>>
    tpu.enqueue_dma source(%arg11 : memref<256x64xf32, #tpu.memory_space<vmem>>) target(%dma_start3A_498 : memref<256x64xf32, #tpu.memory_space<hbm>>) target_semaphore(%arg23 : memref<!tpu.dma_semaphore, #tpu.memory_space<semaphore_mem>>)
    %add3A_499 = arith.constant 5120 : i32
    %add3A_500 = arith.addi %mul3A_2, %add3A_499 : i32
    %dma_wait3A_501 = arith.constant 0 : i32
    %dma_wait3A_502 = tpu.memref_slice %arg5[%add3A_500, %dma_wait3A_501] : memref<262144x64xf32, #tpu.memory_space<hbm>> -> memref<256x64xf32, #tpu.memory_space<hbm>>
    %dma_wait3A_503 = arith.constant 0 : i32
    %dma_wait3A_504 = tpu.memref_slice %arg5[%add3A_500, %dma_wait3A_503] : memref<262144x64xf32, #tpu.memory_space<hbm>> -> memref<256x64xf32, #tpu.memory_space<hbm>>
    tpu.wait_dma2 semaphore(%arg22 : memref<!tpu.dma_semaphore, #tpu.memory_space<semaphore_mem>>) src(%arg10 : memref<256x64xf32, #tpu.memory_space<vmem>>) dst(%dma_wait3A_504 : memref<256x64xf32, #tpu.memory_space<hbm>>)
    %dma_start3A_505 = arith.constant 6656 : i32
    %dma_start3A_506 = tpu.memref_slice %arg6[%dma_start3A_505] : memref<8192xi32, #tpu.memory_space<vmem>> -> memref<256xi32, #tpu.memory_space<vmem>>
    %dma_start3A_507 = arith.constant 0 : i32
    %dma_start3A_508 = arith.constant 0 : i32
    %dma_start3A_509 = tpu.memref_slice %arg4[%dma_start3A_507, %dma_start3A_508] : memref<1600000x64xf32, #tpu.memory_space<hbm>> -> memref<1600000x64xf32, #tpu.memory_space<hbm>>
    tpu.enqueue_indirect_dma source(%dma_start3A_509 : memref<1600000x64xf32, #tpu.memory_space<hbm>>) target(%arg10 : memref<256x64xf32, #tpu.memory_space<vmem>>) offsets(%dma_start3A_506 : memref<256xi32, #tpu.memory_space<vmem>>) semaphore(%arg16 : memref<!tpu.dma_semaphore, #tpu.memory_space<semaphore_mem>>)
    %dma_wait3A_510 = arith.constant 5632 : i32
    %dma_wait3A_511 = tpu.memref_slice %arg6[%dma_wait3A_510] : memref<8192xi32, #tpu.memory_space<vmem>> -> memref<256xi32, #tpu.memory_space<vmem>>
    %dma_wait3A_512 = arith.constant 0 : i32
    %dma_wait3A_513 = arith.constant 0 : i32
    %dma_wait3A_514 = tpu.memref_slice %arg4[%dma_wait3A_512, %dma_wait3A_513] : memref<1600000x64xf32, #tpu.memory_space<hbm>> -> memref<1600000x64xf32, #tpu.memory_space<hbm>>
    tpu.wait_indirect_dma semaphore(%arg18 : memref<!tpu.dma_semaphore, #tpu.memory_space<semaphore_mem>>) src(%dma_wait3A_514 : memref<1600000x64xf32, #tpu.memory_space<hbm>>) dst(%arg12 : memref<256x64xf32, #tpu.memory_space<vmem>>)
    %add3A_515 = arith.constant 5632 : i32
    %add3A_516 = arith.addi %mul3A_2, %add3A_515 : i32
    %dma_start3A_517 = arith.constant 0 : i32
    %dma_start3A_518 = tpu.memref_slice %arg5[%add3A_516, %dma_start3A_517] : memref<262144x64xf32, #tpu.memory_space<hbm>> -> memref<256x64xf32, #tpu.memory_space<hbm>>
    %dma_start3A_519 = arith.constant 0 : i32
    %dma_start3A_520 = tpu.memref_slice %arg5[%add3A_516, %dma_start3A_519] : memref<262144x64xf32, #tpu.memory_space<hbm>> -> memref<256x64xf32, #tpu.memory_space<hbm>>
    tpu.enqueue_dma source(%arg12 : memref<256x64xf32, #tpu.memory_space<vmem>>) target(%dma_start3A_520 : memref<256x64xf32, #tpu.memory_space<hbm>>) target_semaphore(%arg24 : memref<!tpu.dma_semaphore, #tpu.memory_space<semaphore_mem>>)
    %add3A_521 = arith.constant 5376 : i32
    %add3A_522 = arith.addi %mul3A_2, %add3A_521 : i32
    %dma_wait3A_523 = arith.constant 0 : i32
    %dma_wait3A_524 = tpu.memref_slice %arg5[%add3A_522, %dma_wait3A_523] : memref<262144x64xf32, #tpu.memory_space<hbm>> -> memref<256x64xf32, #tpu.memory_space<hbm>>
    %dma_wait3A_525 = arith.constant 0 : i32
    %dma_wait3A_526 = tpu.memref_slice %arg5[%add3A_522, %dma_wait3A_525] : memref<262144x64xf32, #tpu.memory_space<hbm>> -> memref<256x64xf32, #tpu.memory_space<hbm>>
    tpu.wait_dma2 semaphore(%arg23 : memref<!tpu.dma_semaphore, #tpu.memory_space<semaphore_mem>>) src(%arg11 : memref<256x64xf32, #tpu.memory_space<vmem>>) dst(%dma_wait3A_526 : memref<256x64xf32, #tpu.memory_space<hbm>>)
    %dma_start3A_527 = arith.constant 6912 : i32
    %dma_start3A_528 = tpu.memref_slice %arg6[%dma_start3A_527] : memref<8192xi32, #tpu.memory_space<vmem>> -> memref<256xi32, #tpu.memory_space<vmem>>
    %dma_start3A_529 = arith.constant 0 : i32
    %dma_start3A_530 = arith.constant 0 : i32
    %dma_start3A_531 = tpu.memref_slice %arg4[%dma_start3A_529, %dma_start3A_530] : memref<1600000x64xf32, #tpu.memory_space<hbm>> -> memref<1600000x64xf32, #tpu.memory_space<hbm>>
    tpu.enqueue_indirect_dma source(%dma_start3A_531 : memref<1600000x64xf32, #tpu.memory_space<hbm>>) target(%arg11 : memref<256x64xf32, #tpu.memory_space<vmem>>) offsets(%dma_start3A_528 : memref<256xi32, #tpu.memory_space<vmem>>) semaphore(%arg17 : memref<!tpu.dma_semaphore, #tpu.memory_space<semaphore_mem>>)
    %dma_wait3A_532 = arith.constant 5888 : i32
    %dma_wait3A_533 = tpu.memref_slice %arg6[%dma_wait3A_532] : memref<8192xi32, #tpu.memory_space<vmem>> -> memref<256xi32, #tpu.memory_space<vmem>>
    %dma_wait3A_534 = arith.constant 0 : i32
    %dma_wait3A_535 = arith.constant 0 : i32
    %dma_wait3A_536 = tpu.memref_slice %arg4[%dma_wait3A_534, %dma_wait3A_535] : memref<1600000x64xf32, #tpu.memory_space<hbm>> -> memref<1600000x64xf32, #tpu.memory_space<hbm>>
    tpu.wait_indirect_dma semaphore(%arg19 : memref<!tpu.dma_semaphore, #tpu.memory_space<semaphore_mem>>) src(%dma_wait3A_536 : memref<1600000x64xf32, #tpu.memory_space<hbm>>) dst(%arg13 : memref<256x64xf32, #tpu.memory_space<vmem>>)
    %add3A_537 = arith.constant 5888 : i32
    %add3A_538 = arith.addi %mul3A_2, %add3A_537 : i32
    %dma_start3A_539 = arith.constant 0 : i32
    %dma_start3A_540 = tpu.memref_slice %arg5[%add3A_538, %dma_start3A_539] : memref<262144x64xf32, #tpu.memory_space<hbm>> -> memref<256x64xf32, #tpu.memory_space<hbm>>
    %dma_start3A_541 = arith.constant 0 : i32
    %dma_start3A_542 = tpu.memref_slice %arg5[%add3A_538, %dma_start3A_541] : memref<262144x64xf32, #tpu.memory_space<hbm>> -> memref<256x64xf32, #tpu.memory_space<hbm>>
    tpu.enqueue_dma source(%arg13 : memref<256x64xf32, #tpu.memory_space<vmem>>) target(%dma_start3A_542 : memref<256x64xf32, #tpu.memory_space<hbm>>) target_semaphore(%arg25 : memref<!tpu.dma_semaphore, #tpu.memory_space<semaphore_mem>>)
    %add3A_543 = arith.constant 5632 : i32
    %add3A_544 = arith.addi %mul3A_2, %add3A_543 : i32
    %dma_wait3A_545 = arith.constant 0 : i32
    %dma_wait3A_546 = tpu.memref_slice %arg5[%add3A_544, %dma_wait3A_545] : memref<262144x64xf32, #tpu.memory_space<hbm>> -> memref<256x64xf32, #tpu.memory_space<hbm>>
    %dma_wait3A_547 = arith.constant 0 : i32
    %dma_wait3A_548 = tpu.memref_slice %arg5[%add3A_544, %dma_wait3A_547] : memref<262144x64xf32, #tpu.memory_space<hbm>> -> memref<256x64xf32, #tpu.memory_space<hbm>>
    tpu.wait_dma2 semaphore(%arg24 : memref<!tpu.dma_semaphore, #tpu.memory_space<semaphore_mem>>) src(%arg12 : memref<256x64xf32, #tpu.memory_space<vmem>>) dst(%dma_wait3A_548 : memref<256x64xf32, #tpu.memory_space<hbm>>)
    %dma_start3A_549 = arith.constant 7168 : i32
    %dma_start3A_550 = tpu.memref_slice %arg6[%dma_start3A_549] : memref<8192xi32, #tpu.memory_space<vmem>> -> memref<256xi32, #tpu.memory_space<vmem>>
    %dma_start3A_551 = arith.constant 0 : i32
    %dma_start3A_552 = arith.constant 0 : i32
    %dma_start3A_553 = tpu.memref_slice %arg4[%dma_start3A_551, %dma_start3A_552] : memref<1600000x64xf32, #tpu.memory_space<hbm>> -> memref<1600000x64xf32, #tpu.memory_space<hbm>>
    tpu.enqueue_indirect_dma source(%dma_start3A_553 : memref<1600000x64xf32, #tpu.memory_space<hbm>>) target(%arg12 : memref<256x64xf32, #tpu.memory_space<vmem>>) offsets(%dma_start3A_550 : memref<256xi32, #tpu.memory_space<vmem>>) semaphore(%arg18 : memref<!tpu.dma_semaphore, #tpu.memory_space<semaphore_mem>>)
    %dma_wait3A_554 = arith.constant 6144 : i32
    %dma_wait3A_555 = tpu.memref_slice %arg6[%dma_wait3A_554] : memref<8192xi32, #tpu.memory_space<vmem>> -> memref<256xi32, #tpu.memory_space<vmem>>
    %dma_wait3A_556 = arith.constant 0 : i32
    %dma_wait3A_557 = arith.constant 0 : i32
    %dma_wait3A_558 = tpu.memref_slice %arg4[%dma_wait3A_556, %dma_wait3A_557] : memref<1600000x64xf32, #tpu.memory_space<hbm>> -> memref<1600000x64xf32, #tpu.memory_space<hbm>>
    tpu.wait_indirect_dma semaphore(%arg14 : memref<!tpu.dma_semaphore, #tpu.memory_space<semaphore_mem>>) src(%dma_wait3A_558 : memref<1600000x64xf32, #tpu.memory_space<hbm>>) dst(%arg8 : memref<256x64xf32, #tpu.memory_space<vmem>>)
    %add3A_559 = arith.constant 6144 : i32
    %add3A_560 = arith.addi %mul3A_2, %add3A_559 : i32
    %dma_start3A_561 = arith.constant 0 : i32
    %dma_start3A_562 = tpu.memref_slice %arg5[%add3A_560, %dma_start3A_561] : memref<262144x64xf32, #tpu.memory_space<hbm>> -> memref<256x64xf32, #tpu.memory_space<hbm>>
    %dma_start3A_563 = arith.constant 0 : i32
    %dma_start3A_564 = tpu.memref_slice %arg5[%add3A_560, %dma_start3A_563] : memref<262144x64xf32, #tpu.memory_space<hbm>> -> memref<256x64xf32, #tpu.memory_space<hbm>>
    tpu.enqueue_dma source(%arg8 : memref<256x64xf32, #tpu.memory_space<vmem>>) target(%dma_start3A_564 : memref<256x64xf32, #tpu.memory_space<hbm>>) target_semaphore(%arg20 : memref<!tpu.dma_semaphore, #tpu.memory_space<semaphore_mem>>)
    %add3A_565 = arith.constant 5888 : i32
    %add3A_566 = arith.addi %mul3A_2, %add3A_565 : i32
    %dma_wait3A_567 = arith.constant 0 : i32
    %dma_wait3A_568 = tpu.memref_slice %arg5[%add3A_566, %dma_wait3A_567] : memref<262144x64xf32, #tpu.memory_space<hbm>> -> memref<256x64xf32, #tpu.memory_space<hbm>>
    %dma_wait3A_569 = arith.constant 0 : i32
    %dma_wait3A_570 = tpu.memref_slice %arg5[%add3A_566, %dma_wait3A_569] : memref<262144x64xf32, #tpu.memory_space<hbm>> -> memref<256x64xf32, #tpu.memory_space<hbm>>
    tpu.wait_dma2 semaphore(%arg25 : memref<!tpu.dma_semaphore, #tpu.memory_space<semaphore_mem>>) src(%arg13 : memref<256x64xf32, #tpu.memory_space<vmem>>) dst(%dma_wait3A_570 : memref<256x64xf32, #tpu.memory_space<hbm>>)
    %dma_start3A_571 = arith.constant 7424 : i32
    %dma_start3A_572 = tpu.memref_slice %arg6[%dma_start3A_571] : memref<8192xi32, #tpu.memory_space<vmem>> -> memref<256xi32, #tpu.memory_space<vmem>>
    %dma_start3A_573 = arith.constant 0 : i32
    %dma_start3A_574 = arith.constant 0 : i32
    %dma_start3A_575 = tpu.memref_slice %arg4[%dma_start3A_573, %dma_start3A_574] : memref<1600000x64xf32, #tpu.memory_space<hbm>> -> memref<1600000x64xf32, #tpu.memory_space<hbm>>
    tpu.enqueue_indirect_dma source(%dma_start3A_575 : memref<1600000x64xf32, #tpu.memory_space<hbm>>) target(%arg13 : memref<256x64xf32, #tpu.memory_space<vmem>>) offsets(%dma_start3A_572 : memref<256xi32, #tpu.memory_space<vmem>>) semaphore(%arg19 : memref<!tpu.dma_semaphore, #tpu.memory_space<semaphore_mem>>)
    %dma_wait3A_576 = arith.constant 6400 : i32
    %dma_wait3A_577 = tpu.memref_slice %arg6[%dma_wait3A_576] : memref<8192xi32, #tpu.memory_space<vmem>> -> memref<256xi32, #tpu.memory_space<vmem>>
    %dma_wait3A_578 = arith.constant 0 : i32
    %dma_wait3A_579 = arith.constant 0 : i32
    %dma_wait3A_580 = tpu.memref_slice %arg4[%dma_wait3A_578, %dma_wait3A_579] : memref<1600000x64xf32, #tpu.memory_space<hbm>> -> memref<1600000x64xf32, #tpu.memory_space<hbm>>
    tpu.wait_indirect_dma semaphore(%arg15 : memref<!tpu.dma_semaphore, #tpu.memory_space<semaphore_mem>>) src(%dma_wait3A_580 : memref<1600000x64xf32, #tpu.memory_space<hbm>>) dst(%arg9 : memref<256x64xf32, #tpu.memory_space<vmem>>)
    %add3A_581 = arith.constant 6400 : i32
    %add3A_582 = arith.addi %mul3A_2, %add3A_581 : i32
    %dma_start3A_583 = arith.constant 0 : i32
    %dma_start3A_584 = tpu.memref_slice %arg5[%add3A_582, %dma_start3A_583] : memref<262144x64xf32, #tpu.memory_space<hbm>> -> memref<256x64xf32, #tpu.memory_space<hbm>>
    %dma_start3A_585 = arith.constant 0 : i32
    %dma_start3A_586 = tpu.memref_slice %arg5[%add3A_582, %dma_start3A_585] : memref<262144x64xf32, #tpu.memory_space<hbm>> -> memref<256x64xf32, #tpu.memory_space<hbm>>
    tpu.enqueue_dma source(%arg9 : memref<256x64xf32, #tpu.memory_space<vmem>>) target(%dma_start3A_586 : memref<256x64xf32, #tpu.memory_space<hbm>>) target_semaphore(%arg21 : memref<!tpu.dma_semaphore, #tpu.memory_space<semaphore_mem>>)
    %add3A_587 = arith.constant 6144 : i32
    %add3A_588 = arith.addi %mul3A_2, %add3A_587 : i32
    %dma_wait3A_589 = arith.constant 0 : i32
    %dma_wait3A_590 = tpu.memref_slice %arg5[%add3A_588, %dma_wait3A_589] : memref<262144x64xf32, #tpu.memory_space<hbm>> -> memref<256x64xf32, #tpu.memory_space<hbm>>
    %dma_wait3A_591 = arith.constant 0 : i32
    %dma_wait3A_592 = tpu.memref_slice %arg5[%add3A_588, %dma_wait3A_591] : memref<262144x64xf32, #tpu.memory_space<hbm>> -> memref<256x64xf32, #tpu.memory_space<hbm>>
    tpu.wait_dma2 semaphore(%arg20 : memref<!tpu.dma_semaphore, #tpu.memory_space<semaphore_mem>>) src(%arg8 : memref<256x64xf32, #tpu.memory_space<vmem>>) dst(%dma_wait3A_592 : memref<256x64xf32, #tpu.memory_space<hbm>>)
    %dma_start3A_593 = arith.constant 7680 : i32
    %dma_start3A_594 = tpu.memref_slice %arg6[%dma_start3A_593] : memref<8192xi32, #tpu.memory_space<vmem>> -> memref<256xi32, #tpu.memory_space<vmem>>
    %dma_start3A_595 = arith.constant 0 : i32
    %dma_start3A_596 = arith.constant 0 : i32
    %dma_start3A_597 = tpu.memref_slice %arg4[%dma_start3A_595, %dma_start3A_596] : memref<1600000x64xf32, #tpu.memory_space<hbm>> -> memref<1600000x64xf32, #tpu.memory_space<hbm>>
    tpu.enqueue_indirect_dma source(%dma_start3A_597 : memref<1600000x64xf32, #tpu.memory_space<hbm>>) target(%arg8 : memref<256x64xf32, #tpu.memory_space<vmem>>) offsets(%dma_start3A_594 : memref<256xi32, #tpu.memory_space<vmem>>) semaphore(%arg14 : memref<!tpu.dma_semaphore, #tpu.memory_space<semaphore_mem>>)
    %dma_wait3A_598 = arith.constant 6656 : i32
    %dma_wait3A_599 = tpu.memref_slice %arg6[%dma_wait3A_598] : memref<8192xi32, #tpu.memory_space<vmem>> -> memref<256xi32, #tpu.memory_space<vmem>>
    %dma_wait3A_600 = arith.constant 0 : i32
    %dma_wait3A_601 = arith.constant 0 : i32
    %dma_wait3A_602 = tpu.memref_slice %arg4[%dma_wait3A_600, %dma_wait3A_601] : memref<1600000x64xf32, #tpu.memory_space<hbm>> -> memref<1600000x64xf32, #tpu.memory_space<hbm>>
    tpu.wait_indirect_dma semaphore(%arg16 : memref<!tpu.dma_semaphore, #tpu.memory_space<semaphore_mem>>) src(%dma_wait3A_602 : memref<1600000x64xf32, #tpu.memory_space<hbm>>) dst(%arg10 : memref<256x64xf32, #tpu.memory_space<vmem>>)
    %add3A_603 = arith.constant 6656 : i32
    %add3A_604 = arith.addi %mul3A_2, %add3A_603 : i32
    %dma_start3A_605 = arith.constant 0 : i32
    %dma_start3A_606 = tpu.memref_slice %arg5[%add3A_604, %dma_start3A_605] : memref<262144x64xf32, #tpu.memory_space<hbm>> -> memref<256x64xf32, #tpu.memory_space<hbm>>
    %dma_start3A_607 = arith.constant 0 : i32
    %dma_start3A_608 = tpu.memref_slice %arg5[%add3A_604, %dma_start3A_607] : memref<262144x64xf32, #tpu.memory_space<hbm>> -> memref<256x64xf32, #tpu.memory_space<hbm>>
    tpu.enqueue_dma source(%arg10 : memref<256x64xf32, #tpu.memory_space<vmem>>) target(%dma_start3A_608 : memref<256x64xf32, #tpu.memory_space<hbm>>) target_semaphore(%arg22 : memref<!tpu.dma_semaphore, #tpu.memory_space<semaphore_mem>>)
    %add3A_609 = arith.constant 6400 : i32
    %add3A_610 = arith.addi %mul3A_2, %add3A_609 : i32
    %dma_wait3A_611 = arith.constant 0 : i32
    %dma_wait3A_612 = tpu.memref_slice %arg5[%add3A_610, %dma_wait3A_611] : memref<262144x64xf32, #tpu.memory_space<hbm>> -> memref<256x64xf32, #tpu.memory_space<hbm>>
    %dma_wait3A_613 = arith.constant 0 : i32
    %dma_wait3A_614 = tpu.memref_slice %arg5[%add3A_610, %dma_wait3A_613] : memref<262144x64xf32, #tpu.memory_space<hbm>> -> memref<256x64xf32, #tpu.memory_space<hbm>>
    tpu.wait_dma2 semaphore(%arg21 : memref<!tpu.dma_semaphore, #tpu.memory_space<semaphore_mem>>) src(%arg9 : memref<256x64xf32, #tpu.memory_space<vmem>>) dst(%dma_wait3A_614 : memref<256x64xf32, #tpu.memory_space<hbm>>)
    %dma_start3A_615 = arith.constant 7936 : i32
    %dma_start3A_616 = tpu.memref_slice %arg6[%dma_start3A_615] : memref<8192xi32, #tpu.memory_space<vmem>> -> memref<256xi32, #tpu.memory_space<vmem>>
    %dma_start3A_617 = arith.constant 0 : i32
    %dma_start3A_618 = arith.constant 0 : i32
    %dma_start3A_619 = tpu.memref_slice %arg4[%dma_start3A_617, %dma_start3A_618] : memref<1600000x64xf32, #tpu.memory_space<hbm>> -> memref<1600000x64xf32, #tpu.memory_space<hbm>>
    tpu.enqueue_indirect_dma source(%dma_start3A_619 : memref<1600000x64xf32, #tpu.memory_space<hbm>>) target(%arg9 : memref<256x64xf32, #tpu.memory_space<vmem>>) offsets(%dma_start3A_616 : memref<256xi32, #tpu.memory_space<vmem>>) semaphore(%arg15 : memref<!tpu.dma_semaphore, #tpu.memory_space<semaphore_mem>>)
    %dma_wait3A_620 = arith.constant 6912 : i32
    %dma_wait3A_621 = tpu.memref_slice %arg6[%dma_wait3A_620] : memref<8192xi32, #tpu.memory_space<vmem>> -> memref<256xi32, #tpu.memory_space<vmem>>
    %dma_wait3A_622 = arith.constant 0 : i32
    %dma_wait3A_623 = arith.constant 0 : i32
    %dma_wait3A_624 = tpu.memref_slice %arg4[%dma_wait3A_622, %dma_wait3A_623] : memref<1600000x64xf32, #tpu.memory_space<hbm>> -> memref<1600000x64xf32, #tpu.memory_space<hbm>>
    tpu.wait_indirect_dma semaphore(%arg17 : memref<!tpu.dma_semaphore, #tpu.memory_space<semaphore_mem>>) src(%dma_wait3A_624 : memref<1600000x64xf32, #tpu.memory_space<hbm>>) dst(%arg11 : memref<256x64xf32, #tpu.memory_space<vmem>>)
    %add3A_625 = arith.constant 6912 : i32
    %add3A_626 = arith.addi %mul3A_2, %add3A_625 : i32
    %dma_start3A_627 = arith.constant 0 : i32
    %dma_start3A_628 = tpu.memref_slice %arg5[%add3A_626, %dma_start3A_627] : memref<262144x64xf32, #tpu.memory_space<hbm>> -> memref<256x64xf32, #tpu.memory_space<hbm>>
    %dma_start3A_629 = arith.constant 0 : i32
    %dma_start3A_630 = tpu.memref_slice %arg5[%add3A_626, %dma_start3A_629] : memref<262144x64xf32, #tpu.memory_space<hbm>> -> memref<256x64xf32, #tpu.memory_space<hbm>>
    tpu.enqueue_dma source(%arg11 : memref<256x64xf32, #tpu.memory_space<vmem>>) target(%dma_start3A_630 : memref<256x64xf32, #tpu.memory_space<hbm>>) target_semaphore(%arg23 : memref<!tpu.dma_semaphore, #tpu.memory_space<semaphore_mem>>)
    %dma_wait3A_631 = arith.constant 7168 : i32
    %dma_wait3A_632 = tpu.memref_slice %arg6[%dma_wait3A_631] : memref<8192xi32, #tpu.memory_space<vmem>> -> memref<256xi32, #tpu.memory_space<vmem>>
    %dma_wait3A_633 = arith.constant 0 : i32
    %dma_wait3A_634 = arith.constant 0 : i32
    %dma_wait3A_635 = tpu.memref_slice %arg4[%dma_wait3A_633, %dma_wait3A_634] : memref<1600000x64xf32, #tpu.memory_space<hbm>> -> memref<1600000x64xf32, #tpu.memory_space<hbm>>
    tpu.wait_indirect_dma semaphore(%arg18 : memref<!tpu.dma_semaphore, #tpu.memory_space<semaphore_mem>>) src(%dma_wait3A_635 : memref<1600000x64xf32, #tpu.memory_space<hbm>>) dst(%arg12 : memref<256x64xf32, #tpu.memory_space<vmem>>)
    %add3A_636 = arith.constant 7168 : i32
    %add3A_637 = arith.addi %mul3A_2, %add3A_636 : i32
    %dma_start3A_638 = arith.constant 0 : i32
    %dma_start3A_639 = tpu.memref_slice %arg5[%add3A_637, %dma_start3A_638] : memref<262144x64xf32, #tpu.memory_space<hbm>> -> memref<256x64xf32, #tpu.memory_space<hbm>>
    %dma_start3A_640 = arith.constant 0 : i32
    %dma_start3A_641 = tpu.memref_slice %arg5[%add3A_637, %dma_start3A_640] : memref<262144x64xf32, #tpu.memory_space<hbm>> -> memref<256x64xf32, #tpu.memory_space<hbm>>
    tpu.enqueue_dma source(%arg12 : memref<256x64xf32, #tpu.memory_space<vmem>>) target(%dma_start3A_641 : memref<256x64xf32, #tpu.memory_space<hbm>>) target_semaphore(%arg24 : memref<!tpu.dma_semaphore, #tpu.memory_space<semaphore_mem>>)
    %dma_wait3A_642 = arith.constant 7424 : i32
    %dma_wait3A_643 = tpu.memref_slice %arg6[%dma_wait3A_642] : memref<8192xi32, #tpu.memory_space<vmem>> -> memref<256xi32, #tpu.memory_space<vmem>>
    %dma_wait3A_644 = arith.constant 0 : i32
    %dma_wait3A_645 = arith.constant 0 : i32
    %dma_wait3A_646 = tpu.memref_slice %arg4[%dma_wait3A_644, %dma_wait3A_645] : memref<1600000x64xf32, #tpu.memory_space<hbm>> -> memref<1600000x64xf32, #tpu.memory_space<hbm>>
    tpu.wait_indirect_dma semaphore(%arg19 : memref<!tpu.dma_semaphore, #tpu.memory_space<semaphore_mem>>) src(%dma_wait3A_646 : memref<1600000x64xf32, #tpu.memory_space<hbm>>) dst(%arg13 : memref<256x64xf32, #tpu.memory_space<vmem>>)
    %add3A_647 = arith.constant 7424 : i32
    %add3A_648 = arith.addi %mul3A_2, %add3A_647 : i32
    %dma_start3A_649 = arith.constant 0 : i32
    %dma_start3A_650 = tpu.memref_slice %arg5[%add3A_648, %dma_start3A_649] : memref<262144x64xf32, #tpu.memory_space<hbm>> -> memref<256x64xf32, #tpu.memory_space<hbm>>
    %dma_start3A_651 = arith.constant 0 : i32
    %dma_start3A_652 = tpu.memref_slice %arg5[%add3A_648, %dma_start3A_651] : memref<262144x64xf32, #tpu.memory_space<hbm>> -> memref<256x64xf32, #tpu.memory_space<hbm>>
    tpu.enqueue_dma source(%arg13 : memref<256x64xf32, #tpu.memory_space<vmem>>) target(%dma_start3A_652 : memref<256x64xf32, #tpu.memory_space<hbm>>) target_semaphore(%arg25 : memref<!tpu.dma_semaphore, #tpu.memory_space<semaphore_mem>>)
    %dma_wait3A_653 = arith.constant 7680 : i32
    %dma_wait3A_654 = tpu.memref_slice %arg6[%dma_wait3A_653] : memref<8192xi32, #tpu.memory_space<vmem>> -> memref<256xi32, #tpu.memory_space<vmem>>
    %dma_wait3A_655 = arith.constant 0 : i32
    %dma_wait3A_656 = arith.constant 0 : i32
    %dma_wait3A_657 = tpu.memref_slice %arg4[%dma_wait3A_655, %dma_wait3A_656] : memref<1600000x64xf32, #tpu.memory_space<hbm>> -> memref<1600000x64xf32, #tpu.memory_space<hbm>>
    tpu.wait_indirect_dma semaphore(%arg14 : memref<!tpu.dma_semaphore, #tpu.memory_space<semaphore_mem>>) src(%dma_wait3A_657 : memref<1600000x64xf32, #tpu.memory_space<hbm>>) dst(%arg8 : memref<256x64xf32, #tpu.memory_space<vmem>>)
    %add3A_658 = arith.constant 7680 : i32
    %add3A_659 = arith.addi %mul3A_2, %add3A_658 : i32
    %dma_start3A_660 = arith.constant 0 : i32
    %dma_start3A_661 = tpu.memref_slice %arg5[%add3A_659, %dma_start3A_660] : memref<262144x64xf32, #tpu.memory_space<hbm>> -> memref<256x64xf32, #tpu.memory_space<hbm>>
    %dma_start3A_662 = arith.constant 0 : i32
    %dma_start3A_663 = tpu.memref_slice %arg5[%add3A_659, %dma_start3A_662] : memref<262144x64xf32, #tpu.memory_space<hbm>> -> memref<256x64xf32, #tpu.memory_space<hbm>>
    tpu.enqueue_dma source(%arg8 : memref<256x64xf32, #tpu.memory_space<vmem>>) target(%dma_start3A_663 : memref<256x64xf32, #tpu.memory_space<hbm>>) target_semaphore(%arg20 : memref<!tpu.dma_semaphore, #tpu.memory_space<semaphore_mem>>)
    %dma_wait3A_664 = arith.constant 7936 : i32
    %dma_wait3A_665 = tpu.memref_slice %arg6[%dma_wait3A_664] : memref<8192xi32, #tpu.memory_space<vmem>> -> memref<256xi32, #tpu.memory_space<vmem>>
    %dma_wait3A_666 = arith.constant 0 : i32
    %dma_wait3A_667 = arith.constant 0 : i32
    %dma_wait3A_668 = tpu.memref_slice %arg4[%dma_wait3A_666, %dma_wait3A_667] : memref<1600000x64xf32, #tpu.memory_space<hbm>> -> memref<1600000x64xf32, #tpu.memory_space<hbm>>
    tpu.wait_indirect_dma semaphore(%arg15 : memref<!tpu.dma_semaphore, #tpu.memory_space<semaphore_mem>>) src(%dma_wait3A_668 : memref<1600000x64xf32, #tpu.memory_space<hbm>>) dst(%arg9 : memref<256x64xf32, #tpu.memory_space<vmem>>)
    %add3A_669 = arith.constant 7936 : i32
    %add3A_670 = arith.addi %mul3A_2, %add3A_669 : i32
    %dma_start3A_671 = arith.constant 0 : i32
    %dma_start3A_672 = tpu.memref_slice %arg5[%add3A_670, %dma_start3A_671] : memref<262144x64xf32, #tpu.memory_space<hbm>> -> memref<256x64xf32, #tpu.memory_space<hbm>>
    %dma_start3A_673 = arith.constant 0 : i32
    %dma_start3A_674 = tpu.memref_slice %arg5[%add3A_670, %dma_start3A_673] : memref<262144x64xf32, #tpu.memory_space<hbm>> -> memref<256x64xf32, #tpu.memory_space<hbm>>
    tpu.enqueue_dma source(%arg9 : memref<256x64xf32, #tpu.memory_space<vmem>>) target(%dma_start3A_674 : memref<256x64xf32, #tpu.memory_space<hbm>>) target_semaphore(%arg21 : memref<!tpu.dma_semaphore, #tpu.memory_space<semaphore_mem>>)
    %add3A_675 = arith.constant 6656 : i32
    %add3A_676 = arith.addi %mul3A_2, %add3A_675 : i32
    %dma_wait3A_677 = arith.constant 0 : i32
    %dma_wait3A_678 = tpu.memref_slice %arg5[%add3A_676, %dma_wait3A_677] : memref<262144x64xf32, #tpu.memory_space<hbm>> -> memref<256x64xf32, #tpu.memory_space<hbm>>
    %dma_wait3A_679 = arith.constant 0 : i32
    %dma_wait3A_680 = tpu.memref_slice %arg5[%add3A_676, %dma_wait3A_679] : memref<262144x64xf32, #tpu.memory_space<hbm>> -> memref<256x64xf32, #tpu.memory_space<hbm>>
    tpu.wait_dma2 semaphore(%arg22 : memref<!tpu.dma_semaphore, #tpu.memory_space<semaphore_mem>>) src(%arg10 : memref<256x64xf32, #tpu.memory_space<vmem>>) dst(%dma_wait3A_680 : memref<256x64xf32, #tpu.memory_space<hbm>>)
    %add3A_681 = arith.constant 6912 : i32
    %add3A_682 = arith.addi %mul3A_2, %add3A_681 : i32
    %dma_wait3A_683 = arith.constant 0 : i32
    %dma_wait3A_684 = tpu.memref_slice %arg5[%add3A_682, %dma_wait3A_683] : memref<262144x64xf32, #tpu.memory_space<hbm>> -> memref<256x64xf32, #tpu.memory_space<hbm>>
    %dma_wait3A_685 = arith.constant 0 : i32
    %dma_wait3A_686 = tpu.memref_slice %arg5[%add3A_682, %dma_wait3A_685] : memref<262144x64xf32, #tpu.memory_space<hbm>> -> memref<256x64xf32, #tpu.memory_space<hbm>>
    tpu.wait_dma2 semaphore(%arg23 : memref<!tpu.dma_semaphore, #tpu.memory_space<semaphore_mem>>) src(%arg11 : memref<256x64xf32, #tpu.memory_space<vmem>>) dst(%dma_wait3A_686 : memref<256x64xf32, #tpu.memory_space<hbm>>)
    %add3A_687 = arith.constant 7168 : i32
    %add3A_688 = arith.addi %mul3A_2, %add3A_687 : i32
    %dma_wait3A_689 = arith.constant 0 : i32
    %dma_wait3A_690 = tpu.memref_slice %arg5[%add3A_688, %dma_wait3A_689] : memref<262144x64xf32, #tpu.memory_space<hbm>> -> memref<256x64xf32, #tpu.memory_space<hbm>>
    %dma_wait3A_691 = arith.constant 0 : i32
    %dma_wait3A_692 = tpu.memref_slice %arg5[%add3A_688, %dma_wait3A_691] : memref<262144x64xf32, #tpu.memory_space<hbm>> -> memref<256x64xf32, #tpu.memory_space<hbm>>
    tpu.wait_dma2 semaphore(%arg24 : memref<!tpu.dma_semaphore, #tpu.memory_space<semaphore_mem>>) src(%arg12 : memref<256x64xf32, #tpu.memory_space<vmem>>) dst(%dma_wait3A_692 : memref<256x64xf32, #tpu.memory_space<hbm>>)
    %add3A_693 = arith.constant 7424 : i32
    %add3A_694 = arith.addi %mul3A_2, %add3A_693 : i32
    %dma_wait3A_695 = arith.constant 0 : i32
    %dma_wait3A_696 = tpu.memref_slice %arg5[%add3A_694, %dma_wait3A_695] : memref<262144x64xf32, #tpu.memory_space<hbm>> -> memref<256x64xf32, #tpu.memory_space<hbm>>
    %dma_wait3A_697 = arith.constant 0 : i32
    %dma_wait3A_698 = tpu.memref_slice %arg5[%add3A_694, %dma_wait3A_697] : memref<262144x64xf32, #tpu.memory_space<hbm>> -> memref<256x64xf32, #tpu.memory_space<hbm>>
    tpu.wait_dma2 semaphore(%arg25 : memref<!tpu.dma_semaphore, #tpu.memory_space<semaphore_mem>>) src(%arg13 : memref<256x64xf32, #tpu.memory_space<vmem>>) dst(%dma_wait3A_698 : memref<256x64xf32, #tpu.memory_space<hbm>>)
    %add3A_699 = arith.constant 7680 : i32
    %add3A_700 = arith.addi %mul3A_2, %add3A_699 : i32
    %dma_wait3A_701 = arith.constant 0 : i32
    %dma_wait3A_702 = tpu.memref_slice %arg5[%add3A_700, %dma_wait3A_701] : memref<262144x64xf32, #tpu.memory_space<hbm>> -> memref<256x64xf32, #tpu.memory_space<hbm>>
    %dma_wait3A_703 = arith.constant 0 : i32
    %dma_wait3A_704 = tpu.memref_slice %arg5[%add3A_700, %dma_wait3A_703] : memref<262144x64xf32, #tpu.memory_space<hbm>> -> memref<256x64xf32, #tpu.memory_space<hbm>>
    tpu.wait_dma2 semaphore(%arg20 : memref<!tpu.dma_semaphore, #tpu.memory_space<semaphore_mem>>) src(%arg8 : memref<256x64xf32, #tpu.memory_space<vmem>>) dst(%dma_wait3A_704 : memref<256x64xf32, #tpu.memory_space<hbm>>)
    %add3A_705 = arith.constant 7936 : i32
    %add3A_706 = arith.addi %mul3A_2, %add3A_705 : i32
    %dma_wait3A_707 = arith.constant 0 : i32
    %dma_wait3A_708 = tpu.memref_slice %arg5[%add3A_706, %dma_wait3A_707] : memref<262144x64xf32, #tpu.memory_space<hbm>> -> memref<256x64xf32, #tpu.memory_space<hbm>>
    %dma_wait3A_709 = arith.constant 0 : i32
    %dma_wait3A_710 = tpu.memref_slice %arg5[%add3A_706, %dma_wait3A_709] : memref<262144x64xf32, #tpu.memory_space<hbm>> -> memref<256x64xf32, #tpu.memory_space<hbm>>
    tpu.wait_dma2 semaphore(%arg21 : memref<!tpu.dma_semaphore, #tpu.memory_space<semaphore_mem>>) src(%arg9 : memref<256x64xf32, #tpu.memory_space<vmem>>) dst(%dma_wait3A_710 : memref<256x64xf32, #tpu.memory_space<hbm>>)
    return
  }
}

</mosaic_0001>

<sc_bundles>
// kernel: kernel.3.cloned.1.call-start
scs
__scs_entry_jumppad:
0x0: {  	(pc) =	sbr.rel $0x88, $3  }
0x1: {  	(tag) =	ssettag $0x0;
	lr =	simm.s32 $0x1  }
0x2: {  	[smem:$0x3F9E] =	sst lr;
	_ =	strace $0xD0000000  }
0x3: {  	_ = 	snop  }
0x4: {  	_ = 	snop  }
0x5: {  	_ = 	snop  }
0x6: {  	_ = 	snop  }
0x7: {  	_ = 	snop  }
__scs_overlays_trampoline_lowered:
0x8: {  	[smem:$0x3FAD] =	sst s0  }
0x9: {  	[smem:$0x3FAE] =	sst s1  }
0xa: {  	[smem:$0x3FAF] =	sst s2  }
0xb: {  	[smem:$0x3FB0] =	sst s3  }
0xc: {  	[smem:$0x3FB1] =	sst s4  }
0xd: {  	[smem:$0x3FB2] =	sst s5  }
0xe: {  	[smem:$0x3FB3] =	sst s6  }
0xf: {  	[smem:$0x3FB4] =	sst s7  }
0x10: {  	[smem:$0x3FB5] =	sst s8  }
0x11: {  	[smem:$0x3FB6] =	sst s9;
	s0 =	simm.s32 @!p0 $0x0  }
0x12: {  	s1 =	sld [smem:$0x3F9C];
	s0 =	simm.s32 @p0 $0x1  }
0x13: {  	[smem:$0x3FB7] =	sst s0;
	s0 =	simm.s32 @!p1 $0x0  }
0x14: {  	s2 =	sld [smem:$0x3F9B];
	s0 =	simm.s32 @p1 $0x1  }
0x15: {  	[smem:$0x3FB8] =	sst s0;
	s0 =	simm.s32 @!p2 $0x0  }
0x16: {  	s3 =	sld [smem:$0x3FDB];
	s0 =	simm.s32 @p2 $0x1  }
0x17: {  	s4 =	simm.s32 $0x1BF5;
	[smem:$0x3FBA] =	sst s0  }
0x18: {  	s0 =	sld [smem:$0x3F9D];
	_ =	swait.ge [sflag:s4], $0x0  }
0x19: {  	s7 =	sld [smem:$0x3F9E]  }
0x1a: {  	s8 =	sadd.s32 $0xFFFFE003, lr  }
0x1b: {  	s9 =	sadd.s32 $0xFFFFFEF7, lr;
	s5 =	simm.s32 $0xFFFFFFFF;
	p2 =	slt.u32 s8, $0xFFFFF086  }
0x1c: {  	p1 =	slt.u32 s9, $0xF7A;
	s5 =	simm.s32 @!p2 $0x0  }
0x1d: {  	s5 =	simm.s32 @p1 $0x1;
	p0 =	seq.s32 s7, s2  }
0x1e: {  	s7 =	smul.u32 @!p0 $0xF7A, s2;
	p2 =	seq.s32 @!p0 s5, $0x0  }
0x1f: {  	s9 =	smul.u32 $0xF7A, s1;
	s8 =	simm.s32 @!p0 $0x1BF5;
	p2 =	por !p2, p0  }
0x20: {  	[sflag:s8] =	ssyncset.s32 @!p0 $0xFFFFF086;
	s6 =	sadd.s32 @!p0 s3, s7;
	s7 =	simm.s32 @!p0 $0x108  }
0x21: {  	s3 =	sadd.s32 s3, s9;
	s6 =	sadd.s32 @!p0 $0x88, s6;
	s7 =	simm.s32 @p2 $0x1082  }
0x22: {  	[simem:s7], [sflag:s8] =	dma.local @!p0 [hbm:s6], $0xF7A  }
0x23: {  	s9 =	sor.u32 $0xD0000000, s2;
	s6 =	simm.s32 $0x108;
	_ =	swait.ge @!p0 [sflag:s8], $0x0  }
0x24: {  	s3 =	sadd.s32 $0x88, s3;
	s6 =	simm.s32 @!p1 $0x1082;
	[sflag:s4] =	ssyncset.s32 $0xFFFFF086  }
0x25: {  	[simem:s6], [sflag:s4] =	dma.local [hbm:s3], $0xF7A  }
0x26: {  	[smem:$0x3F9E] =	sst s1;
	(tag) =	ssettag s2;
	_ =	strace s9  }
0x27: {  	s1 =	sld [smem:$0x3FAE]  }
0x28: {  	s2 =	sld [smem:$0x3FAF]  }
0x29: {  	s4 =	sld [smem:$0x3FB1]  }
0x2a: {  	p0 =	seq.s32 s5, $0x0;
	s5 =	sld [smem:$0x3FB2]  }
0x2b: {  	s6 =	sld [smem:$0x3FB3]  }
0x2c: {  	s7 =	sld [smem:$0x3FB4]  }
0x2d: {  	s3 =	simm.s32 $0x108;
	s8 =	sld [smem:$0x3FB5]  }
0x2e: {  	s3 =	simm.s32 @!p0 $0x1082;
	s9 =	sld [smem:$0x3FB6]  }
0x2f: {  	lr =	sadd.s32 s0, s3;
	s0 =	sld [smem:$0x3FAD]  }
0x30: {  	s3 =	sld [smem:$0x3FB0]  }
0x31: {  	[smem:$0x3FB9] =	sst s10  }
0x32: {  	s10 =	sld [smem:$0x3FB7];
	_ =	sdelay $0x3  }
0x33: {  	p0 =	seq.s32 s10, $0x1;
	s10 =	sld [smem:$0x3FB9];
	_ =	sdelay $0x3  }
0x34: {  	[smem:$0x3FB9] =	sst s10  }
0x35: {  	s10 =	sld [smem:$0x3FB8];
	_ =	sdelay $0x3  }
0x36: {  	p1 =	seq.s32 s10, $0x1;
	s10 =	sld [smem:$0x3FB9];
	_ =	sdelay $0x3  }
0x37: {  	[smem:$0x3FB9] =	sst s10  }
0x38: {  	s10 =	sld [smem:$0x3FBA]  }
0x39: {  	_ = 	snop;
	(pc) =	sbr.ind lr, $3  }
0x3a: {  	_ = 	snop  }
0x3b: {  	_ = 	snop  }
0x3c: {  	p2 =	seq.s32 s10, $0x1;
	s10 =	sld [smem:$0x3FB9]  }
0x3d: {  	_ =	shalt  }
0x3e: {  	_ =	shalt  }
0x3f: {  	_ =	shalt  }
0x40: {  	_ =	shalt  }
0x41: {  	_ =	shalt  }
0x42: {  	_ =	shalt  }
0x43: {  	_ =	shalt  }
0x44: {  	_ =	shalt  }
0x45: {  	_ =	shalt  }
0x46: {  	_ =	shalt  }
0x47: {  	_ =	shalt  }
0x48: {  	_ =	shalt  }
0x49: {  	_ =	shalt  }
0x4a: {  	_ =	shalt  }
0x4b: {  	_ =	shalt  }
0x4c: {  	_ =	shalt  }
0x4d: {  	_ =	shalt  }
0x4e: {  	_ =	shalt  }
0x4f: {  	_ =	shalt  }
0x50: {  	_ =	shalt  }
0x51: {  	_ =	shalt  }
0x52: {  	_ =	shalt  }
0x53: {  	_ =	shalt  }
0x54: {  	_ =	shalt  }
0x55: {  	_ =	shalt  }
0x56: {  	_ =	shalt  }
0x57: {  	_ =	shalt  }
0x58: {  	_ =	shalt  }
0x59: {  	_ =	shalt  }
0x5a: {  	_ =	shalt  }
0x5b: {  	_ =	shalt  }
0x5c: {  	_ =	shalt  }
0x5d: {  	_ =	shalt  }
0x5e: {  	_ =	shalt  }
0x5f: {  	_ =	shalt  }
0x60: {  	_ =	shalt  }
0x61: {  	_ =	shalt  }
0x62: {  	_ =	shalt  }
0x63: {  	_ =	shalt  }
0x64: {  	_ =	shalt  }
0x65: {  	_ =	shalt  }
0x66: {  	_ =	shalt  }
0x67: {  	_ =	shalt  }
0x68: {  	_ =	shalt  }
0x69: {  	_ =	shalt  }
0x6a: {  	_ =	shalt  }
0x6b: {  	_ =	shalt  }
0x6c: {  	_ =	shalt  }
0x6d: {  	_ =	shalt  }
0x6e: {  	_ =	shalt  }
0x6f: {  	_ =	shalt  }
0x70: {  	_ =	shalt  }
0x71: {  	_ =	shalt  }
0x72: {  	_ =	shalt  }
0x73: {  	_ =	shalt  }
0x74: {  	_ =	shalt  }
0x75: {  	_ =	shalt  }
0x76: {  	_ =	shalt  }
0x77: {  	_ =	shalt  }
0x78: {  	_ =	shalt  }
0x79: {  	_ =	shalt  }
0x7a: {  	_ =	shalt  }
0x7b: {  	_ =	shalt  }
0x7c: {  	_ =	shalt  }
0x7d: {  	_ =	shalt  }
0x7e: {  	_ =	shalt  }
0x7f: {  	_ =	shalt  }
0x80: {  	_ =	shalt  }
0x81: {  	_ =	shalt  }
0x82: {  	_ =	shalt  }
0x83: {  	_ =	shalt  }
0x84: {  	_ =	shalt  }
0x85: {  	_ =	shalt  }
0x86: {  	_ =	shalt  }
0x87: {  	_ =	shalt  }
.Lfunc_end0:
.L_simem_size_0:
called_computation.1_lowered:
.L_overlay_start_0:
0x88: {  	s2 =	sld [smem:$0x3FD9]  }
0x89: {  	s3 =	sld [smem:$0x3FFE];
	_ =	sdelay $0x1  }
0x8a: {  	s1 =	srdreg.scid  }
0x8b: {  	s0 =	sand.u32 $0x1, s1  }
0x8c: {  	s17 =	sshll.u32 s0, $0xA;
	s2 =	sadd.s32 s3, s2  }
0x8d: {  	s2 =	sadd.s32 s2, s17  }
0x8e: {  	[smem:$0x3FC5] =	sst s2  }
0x8f: {  	_ = 	snop  }
0x90: {  	s2 =	sld [smem:$0x3FC8]  }
0x91: {  	s18 =	sld [smem:$0x3FD0];
	(tm) =	ssettm $0x1  }
0x92: {  	s4 =	sld [smem:$0x3FFB];
	_ =	sdelay $0x3  }
0x93: {  	_ =	strace s4  }
0x94: {  	s4 =	sld [smem:$0x3FFC];
	_ =	sdelay $0x3  }
0x95: {  	_ =	strace s4  }
0x96: {  	s4 =	sld [smem:$0x3FFD];
	_ =	sdelay $0x3  }
0x97: {  	_ =	strace s4  }
0x98: {  	_ =	strace $0x8FFFFFFF  }
0x99: {  	s19 =	sld [smem:$0x3FDB];
	_ =	sdelay $0x1  }
0x9a: {  	s5 =	simm.s32 $_scs_section_size  }
0x9b: {  	s6 =	simm.s32 $_size__tile_overlayer_lowered;
	s7 =	simm.s32 $_tile_overlayer_lowered  }
0x9c: {  	s22 =	simm.s32 $0x1BFF;
	s21 =	sshll.u32 s7, $0x1;
	s4 =	sadd.s32 s5, s19  }
0x9d: {  	s8 =	simm.s32 $0x0;
	s20 =	sshll.u32 s6, $0x1;
	s6 =	sadd.s32 s21, s4  }
0x9e: {  	[timem:s8], [sflag:s22] =	dma.local [hbm:s6], s20  }
0x9f: {  	_ =	swait.ge [sflag:s22], s20  }
0xa0: {  	s5 =	ssub.s32 $0x0, s20;
	[sflag:s22] =	ssyncset.done $0x0  }
0xa1: {  	[sflag:s22] =	ssyncadd.s32 s5;
	_ =	sdelay $0x1  }
0xa2: {  	s23 =	simm.s32 $0x1B8B  }
0xa3: {  	_ =	swait.ge [sflag:s23], $0x1  }
0xa4: {  	[sflag:s23] =	ssyncset.done $0x0  }
0xa5: {  	s25 =	simm.s32 $0x1B8E;
	s24 =	sld [smem:$0x3FFE];
	[sflag:s23] =	ssyncadd.s32 $0xFFFFFFFF  }
0xa6: {  	s26 =	simm.s32 $execute0_lowered;
	[smem:$0x3FD2] =	sst s25  }
0xa7: {  	s6 =	sshll.u32 s26, $0x1;
	_ =	strace $0x80000046;
	[dreg:$0x1] =	wrdreg $0xFFFFFFFF  }
0xa8: {  	s28 =	simm.s32 $_size_execute0_lowered;
	s4 =	sadd.s32 s4, s6;
	[dreg:$0x0] =	wrdreg $0x0  }
0xa9: {  	s6 =	sshll.u32 s28, $0x1;
	[dreg:$0x2] =	wrdreg s4  }
0xaa: {  	[dreg:$0x3] =	wrdreg s6  }
0xab: {  	[dreg:$0x4] =	wrdreg $0xC0  }
0xac: {  	_ =	task [dreg:s8], $0x5FFFF  }
0xad: {  	[dreg:$0x1] =	wrdreg $0xFFFFFFFF  }
0xae: {  	[dreg:$0x0] =	wrdreg $0x60  }
0xaf: {  	[dreg:$0x2] =	wrdreg s24  }
0xb0: {  	[dreg:$0x3] =	wrdreg s2  }
0xb1: {  	[dreg:$0x4] =	wrdreg s18  }
0xb2: {  	[dreg:$0x5] =	wrdreg $0x9  }
0xb3: {  	_ =	task.clear_ibuf [dreg:s8], $0x6FFFF;
	_ =	strace $0x90000046  }
0xb4: {  	s29 =	simm.s32 $0x9;
	_ =	strace $0x80000048  }
0xb5: {  	_ =	swait.ge [sflag:s29], $0x1  }
0xb6: {  	[sflag:s29] =	ssyncadd.s32 $0xFFFFFFFF  }
0xb7: {  	_ =	strace $0x90000048  }
0xb8: {  	_ =	sfence  }
0xb9: {  	s30 =	sld [smem:$0x0];
	_ =	sdelay $0x2  }
0xba: {  	s31 =	sshll.u32 s1, $0xD;
	s1 =	sshrl.u32 s1, $0x2  }
0xbb: {  	s3 =	sand.u32 $0x4000, s31;
	s1 =	sadd.s32 s1, s30  }
0xbc: {  	s0 =	sor.u32 s3, s0;
	s1 =	sshll.u32 s1, $0x11  }
0xbd: {  	s0 =	sor.u32 s1, s0  }
0xbe: {  	s0 =	sadd.s32 $0x8F2B, s0  }
0xbf: {  	[sflag:s0] =	ssyncadd.remote.s32 $0x1  }
0xc0: {  	_ =	sfence.sel $0xFFFF  }
0xc1: {  	[dreg:$0x0] =	wrdreg $0xFFFFFFFF;
	(pc) =	sbr.abs _section_cstart, $3  }
0xc2: {  	[dreg:$0x1] =	wrdreg $0xFFFFFFFF  }
0xc3: {  	_ =	task.clear_ibuf [dreg:s8], $0x2FFFF;
	_ =	strace $0x9FFFFFFF  }
0xc4: {  	(tm) =	ssettm $0x7FFFFFFF  }
0xc5: {  	_ =	shalt  }
tec
execute0_lowered:
.L_overlay_start_1:
0x0: {  	(tag) =	ssettag $0x1  }
0x1: {  	s0 =	rddreg [dreg:$0x0];
	s1 =	srdreg.scid  }
0x2: {  	s3 =	stileid.u32;
	s2 =	rddreg [dreg:$0x2];
	s1 =	sand.u32 $0x1, s1  }
0x3: {  	s4 =	sshll.u32 s3, $0xE;
	s3 =	simm.s32 $0x0;
	s5 =	sshll.u32 s1, $0xD  }
0x4: {  	[smem:$0x7FF] =	sst s3;
	s5 =	sor.u32 s5, s4  }
0x5: {  	s1 =	ssub.s32 $0x2, s1;
	_ =	strace $0x80000047;
	s4 =	sshrl.u32 s5, $0x3  }
0x6: {  	s20 =	sshrl.u32 s1, $0x1;
	s5 =	sshll.u32 s5, $0x3;
	s6 =	sadd.s32 s4, s0  }
0x7: {  	s4 =	sadd.s32 $0x186AA00, s0;
	s0 =	ssub.s32 s1, s20;
	s21 =	sadd.s32 $0xA00, s6  }
0x8: {  	s6 =	sadd.s32 s2, s5;
	s0 =	smax.u32 s0, $0x1;
	[dreg:$0x4] =	wrdreg s21  }
0x9: {  	s22 =	sadd.s32 $0x800, s6;
	[dreg:$0x17] =	wrdreg s0  }
0xa: {  	s23 =	sadd.s32 $0x1000, s6;
	[dreg:$0x5] =	wrdreg s22  }
0xb: {  	s24 =	sadd.s32 $0x1800, s6;
	[dreg:$0x6] =	wrdreg s23  }
0xc: {  	s25 =	sadd.s32 $0x2000, s6;
	[dreg:$0x7] =	wrdreg s24  }
0xd: {  	s26 =	sadd.s32 $0x2800, s6;
	[dreg:$0x8] =	wrdreg s25  }
0xe: {  	s2 =	sadd.s32 $0x3000, s6;
	[dreg:$0x9] =	wrdreg s26  }
0xf: {  	s5 =	sadd.s32 $0x3800, s6;
	[dreg:$0xa] =	wrdreg s2  }
0x10: {  	s7 =	sadd.s32 $0x4000, s6;
	[dreg:$0xb] =	wrdreg s5  }
0x11: {  	s8 =	sadd.s32 $0x4800, s6;
	[dreg:$0xc] =	wrdreg s7  }
0x12: {  	s9 =	sadd.s32 $0x5000, s6;
	[dreg:$0xd] =	wrdreg s8  }
0x13: {  	s10 =	sadd.s32 $0x5800, s6;
	[dreg:$0xe] =	wrdreg s9  }
0x14: {  	s11 =	sadd.s32 $0x6000, s6;
	[dreg:$0xf] =	wrdreg s10  }
0x15: {  	s12 =	sadd.s32 $0x6800, s6;
	[dreg:$0x10] =	wrdreg s11  }
0x16: {  	s13 =	sadd.s32 $0x7000, s6;
	[dreg:$0x11] =	wrdreg s12  }
0x17: {  	s14 =	sadd.s32 $0x7800, s6;
	[dreg:$0x12] =	wrdreg s13  }
0x18: {  	s15 =	sadd.s32 $0x8000, s6;
	[dreg:$0x13] =	wrdreg s14  }
0x19: {  	s16 =	sadd.s32 $0x8800, s6;
	[dreg:$0x14] =	wrdreg s15  }
0x1a: {  	s17 =	sadd.s32 $0x9000, s6;
	[dreg:$0x15] =	wrdreg s16  }
0x1b: {  	s18 =	sadd.s32 $0x9800, s6;
	[dreg:$0x16] =	wrdreg s17  }
0x1c: {  	s28 =	simm.s32 $0xA;
	s19 =	sadd.s32 $0xA000, s6;
	[dreg:$0x18] =	wrdreg s18  }
0x1d: {  	s29 =	simm.s32 $0x6;
	s20 =	sadd.s32 $0xA800, s6;
	[dreg:$0x19] =	wrdreg s19  }
0x1e: {  	s30 =	simm.s32 $0xB;
	s21 =	sadd.s32 $0xB000, s6;
	[dreg:$0x1a] =	wrdreg s20  }
0x1f: {  	s31 =	simm.s32 $0xC;
	s1 =	simm.s32 $0x0;
	[dreg:$0x1b] =	wrdreg s21  }
0x20: {  	s22 =	sadd.s32 $0xB800, s6;
	s23 =	sadd.s32 $0xC000, s6;
	s24 =	sadd.s32 $0xC800, s6  }
0x21: {  	s25 =	sadd.s32 $0xD000, s6;
	s26 =	sadd.s32 $0xD800, s6;
	s7 =	sadd.s32 $0xE000, s6  }
0x22: {  	s8 =	sadd.s32 $0xE800, s6;
	s9 =	sadd.s32 $0xF000, s6;
	s10 =	sadd.s32 $0xF800, s6  }
0x23: {  	s11 =	simm.s32 $0xD;
	s12 =	simm.s32 $0x100;
	s13 =	simm.s32 $0x2010  }
0x24: {  	s14 =	simm.s32 $0x6010;
	s15 =	simm.s32 $0xA010;
	[dreg:$0x1c] =	wrdreg s22  }
0x25: {  	s16 =	simm.s32 $0xE010;
	s17 =	simm.s32 $0x12010;
	[dreg:$0x1d] =	wrdreg s23  }
0x26: {  	s18 =	simm.s32 $0x1;
	s19 =	simm.s32 $0x16010;
	[dreg:$0x1e] =	wrdreg s24  }
0x27: {  	s20 =	simm.s32 $0x2;
	s21 =	simm.s32 $0x7;
	[dreg:$0x1f] =	wrdreg s25  }
0x28: {  	[smem:$0x7FD] =	sst s26;
	s22 =	simm.s32 $0x3;
	s23 =	simm.s32 $0x8  }
0x29: {  	s24 =	simm.s32 $0x4;
	s25 =	simm.s32 $0x9;
	s26 =	simm.s32 $0x5  }
.LBB2_1:
0x2a: {  	s0 =	rddreg [dreg:$0x1];
	s2 =	simm.s32 $0x2000  }
0x2b: {  	[tilespmem:s2], [sflag:$0xD] =	stream.linear.gather [hbm4b:s0+s3], $0x10, $0x38;
	[tilespmem:$0x1A010] =	vst v63  }
0x2c: {  	_ =	swait.ge [sflag:s11], $0x10  }
0x2d: {  	[sflag:s11] =	ssyncset.done $0x0  }
0x2e: {  	s5 =	rddreg [dreg:$0x4];
	[sflag:s11] =	ssyncadd.s32 $0xFFFFFFF0  }
0x2f: {  	[tilespmem:s3], [sflag:$0xD] =	stream.linear.gather [hbm4b:s5+s3], $0x2000, $0x38;
	[tilespmem:$0x1A010] =	vst v63  }
0x30: {  	_ =	swait.ge [sflag:s11], $0x2000  }
0x31: {  	[sflag:s11] =	ssyncset.done $0x0  }
0x32: {  	[sflag:s11] =	ssyncadd.s32 $0xFFFFE000  }
0x33: {  	s0 =	simm.s32 $0x0;
	v0 =	vld [tilespmem:$0x2000]  }
0x34: {  	v3 =	vld [tilespmem:s0+$0x0]  }
0x35: {  	v5 =	vld [tilespmem:s0+$0x10]  }
0x36: {  	v4 =	vld [tilespmem:s0+$0x20]  }
0x37: {  	v2 =	vld [tilespmem:s0+$0x30]  }
0x38: {  	v1 =	vld [tilespmem:s0+$0x40]  }
0x39: {  	v6 =	vadd.s32 v0, v3;
	v3 =	vld [tilespmem:s0+$0x50]  }
0x3a: {  	s2 =	simm.s32 $0x200;
	[tilespmem:s0+$0x0] =	vst v6;
	v6 =	vadd.s32 v0, v5;
	v5 =	vld [tilespmem:s0+$0x60]  }
.LBB2_2:
0x3b: {  	s5 =	sshra.s32 s2, $0x2;
	p0 =	sne.s32 s2, $0x7E00;
	[tilespmem:s0+$0x10] =	vst v6;
	v4 =	vadd.s32 v0, v4;
	v6 =	vld [tilespmem:s0+$0x70]  }
0x3c: {  	v7 =	vld [tilespmem:s5+$0x0];
	[tilespmem:s0+$0x20] =	vst v4;
	v2 =	vadd.s32 v0, v2  }
0x3d: {  	v8 =	vld [tilespmem:s5+$0x10];
	[tilespmem:s0+$0x30] =	vst v2;
	v1 =	vadd.s32 v0, v1  }
.Ltmp0:
0x3e: {  	v4 =	vld [tilespmem:s5+$0x20];
	[tilespmem:s0+$0x40] =	vst v1;
	v1 =	vadd.s32 v0, v3;
	(pc) =	sbr.rel @p0 .LBB2_2-.Ltmp0, $4  }
0x3f: {  	v2 =	vld [tilespmem:s5+$0x30];
	[tilespmem:s0+$0x50] =	vst v1;
	v3 =	vadd.s32 v0, v5  }
0x40: {  	v1 =	vld [tilespmem:s5+$0x40];
	[tilespmem:s0+$0x60] =	vst v3;
	v5 =	vadd.s32 v0, v6  }
0x41: {  	v6 =	vadd.s32 v0, v7;
	v3 =	vld [tilespmem:s5+$0x50];
	[tilespmem:s0+$0x70] =	vst v5;
	s0 =	smov.u32 s5  }
0x42: {  	s2 =	sadd.s32 $0x200, s2;
	[tilespmem:s0+$0x0] =	vst v6;
	v6 =	vadd.s32 v0, v8;
	v5 =	vld [tilespmem:s0+$0x60]  }
0x43: {  	[tilespmem:s0+$0x10] =	vst v6;
	v4 =	vadd.s32 v0, v4;
	v60 =	vld [tilespmem:s0+$0x70]  }
0x44: {  	[tilespmem:s0+$0x20] =	vst v4;
	v2 =	vadd.s32 v0, v2  }
0x45: {  	[tilespmem:s0+$0x30] =	vst v2;
	v1 =	vadd.s32 v0, v1  }
0x46: {  	[tilespmem:s0+$0x40] =	vst v1;
	v61 =	vadd.s32 v0, v3  }
0x47: {  	[tilespmem:s0+$0x50] =	vst v61;
	v62 =	vadd.s32 v0, v5  }
0x48: {  	[tilespmem:s0+$0x60] =	vst v62;
	v63 =	vadd.s32 v0, v60  }
0x49: {  	[tilespmem:s0+$0x70] =	vst v63  }
0x4a: {  	[tilespmem:s13], [sflag:$0x1] =	stream.indirect.gather [hbm4b:s4+s12], $0x40, s3, s12, $0xb8;
	[tilespmem:$0x1A010] =	vst v63  }
0x4b: {  	_ = 	snop  }
0x4c: {  	[tilespmem:s14], [sflag:$0x2] =	stream.indirect.gather [hbm4b:s4+s12], $0x40, s12, s12, $0xb8;
	[tilespmem:$0x1A010] =	vst v63  }
0x4d: {  	s2 =	simm.s32 $0x200  }
0x4e: {  	[tilespmem:s15], [sflag:$0x3] =	stream.indirect.gather [hbm4b:s4+s12], $0x40, s2, s12, $0xb8;
	[tilespmem:$0x1A010] =	vst v63  }
0x4f: {  	s5 =	simm.s32 $0x300  }
0x50: {  	[tilespmem:s16], [sflag:$0x4] =	stream.indirect.gather [hbm4b:s4+s12], $0x40, s5, s12, $0xb8;
	[tilespmem:$0x1A010] =	vst v63  }
0x51: {  	s2 =	simm.s32 $0x400  }
0x52: {  	[tilespmem:s17], [sflag:$0x5] =	stream.indirect.gather [hbm4b:s4+s12], $0x40, s2, s12, $0xb8;
	[tilespmem:$0x1A010] =	vst v63  }
0x53: {  	_ =	swait.ge [sflag:s18], $0x4000  }
0x54: {  	[sflag:s18] =	ssyncset.done $0x0  }
0x55: {  	[sflag:s18] =	ssyncadd.s32 $0xFFFFC000  }
0x56: {  	[hbm4b:s6+s3] =	stream.linear.scatter [tilespmem:s13], [sflag:$0x7], $0x4000, $0x38;
	[tilespmem:$0x1A010] =	vst v63  }
0x57: {  	s5 =	simm.s32 $0x500  }
0x58: {  	[tilespmem:s19], [sflag:$0x6] =	stream.indirect.gather [hbm4b:s4+s12], $0x40, s5, s12, $0xb8;
	[tilespmem:$0x1A010] =	vst v63  }
0x59: {  	_ =	swait.ge [sflag:s20], $0x4000  }
0x5a: {  	[sflag:s20] =	ssyncset.done $0x0  }
0x5b: {  	s2 =	rddreg [dreg:$0x5];
	[sflag:s20] =	ssyncadd.s32 $0xFFFFC000  }
0x5c: {  	[hbm4b:s2+s3] =	stream.linear.scatter [tilespmem:s14], [sflag:$0x8], $0x4000, $0x38;
	[tilespmem:$0x1A010] =	vst v63  }
0x5d: {  	_ =	swait.ge [sflag:s21], $0x4000  }
0x5e: {  	[sflag:s21] =	ssyncset.done $0x0  }
0x5f: {  	s5 =	simm.s32 $0x600;
	[sflag:s21] =	ssyncadd.s32 $0xFFFFC000  }
0x60: {  	[tilespmem:s13], [sflag:$0x1] =	stream.indirect.gather [hbm4b:s4+s12], $0x40, s5, s12, $0xb8;
	[tilespmem:$0x1A010] =	vst v63  }
0x61: {  	_ =	swait.ge [sflag:s22], $0x4000  }
0x62: {  	[sflag:s22] =	ssyncset.done $0x0  }
0x63: {  	s2 =	rddreg [dreg:$0x6];
	[sflag:s22] =	ssyncadd.s32 $0xFFFFC000  }
0x64: {  	[hbm4b:s2+s3] =	stream.linear.scatter [tilespmem:s15], [sflag:$0x9], $0x4000, $0x38;
	[tilespmem:$0x1A010] =	vst v63  }
0x65: {  	_ =	swait.ge [sflag:s23], $0x4000  }
0x66: {  	[sflag:s23] =	ssyncset.done $0x0  }
0x67: {  	s5 =	simm.s32 $0x700;
	[sflag:s23] =	ssyncadd.s32 $0xFFFFC000  }
0x68: {  	[tilespmem:s14], [sflag:$0x2] =	stream.indirect.gather [hbm4b:s4+s12], $0x40, s5, s12, $0xb8;
	[tilespmem:$0x1A010] =	vst v63  }
0x69: {  	_ =	swait.ge [sflag:s24], $0x4000  }
0x6a: {  	[sflag:s24] =	ssyncset.done $0x0  }
0x6b: {  	s2 =	rddreg [dreg:$0x7];
	[sflag:s24] =	ssyncadd.s32 $0xFFFFC000  }
0x6c: {  	[hbm4b:s2+s3] =	stream.linear.scatter [tilespmem:s16], [sflag:$0xA], $0x4000, $0x38;
	[tilespmem:$0x1A010] =	vst v63  }
0x6d: {  	_ =	swait.ge [sflag:s25], $0x4000  }
0x6e: {  	[sflag:s25] =	ssyncset.done $0x0  }
0x6f: {  	s5 =	simm.s32 $0x800;
	[sflag:s25] =	ssyncadd.s32 $0xFFFFC000  }
0x70: {  	[tilespmem:s15], [sflag:$0x3] =	stream.indirect.gather [hbm4b:s4+s12], $0x40, s5, s12, $0xb8;
	[tilespmem:$0x1A010] =	vst v63  }
0x71: {  	_ =	swait.ge [sflag:s26], $0x4000  }
0x72: {  	[sflag:s26] =	ssyncset.done $0x0  }
0x73: {  	s2 =	rddreg [dreg:$0x8];
	[sflag:s26] =	ssyncadd.s32 $0xFFFFC000  }
0x74: {  	[hbm4b:s2+s3] =	stream.linear.scatter [tilespmem:s17], [sflag:$0xB], $0x4000, $0x38;
	[tilespmem:$0x1A010] =	vst v63  }
0x75: {  	_ =	swait.ge [sflag:s28], $0x4000  }
0x76: {  	[sflag:s28] =	ssyncset.done $0x0  }
0x77: {  	s5 =	simm.s32 $0x900;
	[sflag:s28] =	ssyncadd.s32 $0xFFFFC000  }
0x78: {  	[tilespmem:s16], [sflag:$0x4] =	stream.indirect.gather [hbm4b:s4+s12], $0x40, s5, s12, $0xb8;
	[tilespmem:$0x1A010] =	vst v63  }
0x79: {  	_ =	swait.ge [sflag:s29], $0x4000  }
0x7a: {  	[sflag:s29] =	ssyncset.done $0x0  }
0x7b: {  	s2 =	rddreg [dreg:$0x9];
	[sflag:s29] =	ssyncadd.s32 $0xFFFFC000  }
0x7c: {  	[hbm4b:s2+s3] =	stream.linear.scatter [tilespmem:s19], [sflag:$0xC], $0x4000, $0x38;
	[tilespmem:$0x1A010] =	vst v63  }
0x7d: {  	_ =	swait.ge [sflag:s30], $0x4000  }
0x7e: {  	[sflag:s30] =	ssyncset.done $0x0  }
0x7f: {  	s5 =	simm.s32 $0xA00;
	[sflag:s30] =	ssyncadd.s32 $0xFFFFC000  }
0x80: {  	[tilespmem:s17], [sflag:$0x5] =	stream.indirect.gather [hbm4b:s4+s12], $0x40, s5, s12, $0xb8;
	[tilespmem:$0x1A010] =	vst v63  }
0x81: {  	_ =	swait.ge [sflag:s18], $0x4000  }
0x82: {  	[sflag:s18] =	ssyncset.done $0x0  }
0x83: {  	s2 =	rddreg [dreg:$0xa];
	[sflag:s18] =	ssyncadd.s32 $0xFFFFC000  }
0x84: {  	[hbm4b:s2+s3] =	stream.linear.scatter [tilespmem:s13], [sflag:$0x7], $0x4000, $0x38;
	[tilespmem:$0x1A010] =	vst v63  }
0x85: {  	_ =	swait.ge [sflag:s31], $0x4000  }
0x86: {  	[sflag:s31] =	ssyncset.done $0x0  }
0x87: {  	s5 =	simm.s32 $0xB00;
	[sflag:s31] =	ssyncadd.s32 $0xFFFFC000  }
0x88: {  	[tilespmem:s19], [sflag:$0x6] =	stream.indirect.gather [hbm4b:s4+s12], $0x40, s5, s12, $0xb8;
	[tilespmem:$0x1A010] =	vst v63  }
0x89: {  	_ =	swait.ge [sflag:s20], $0x4000  }
0x8a: {  	[sflag:s20] =	ssyncset.done $0x0  }
0x8b: {  	s2 =	rddreg [dreg:$0xb];
	[sflag:s20] =	ssyncadd.s32 $0xFFFFC000  }
0x8c: {  	[hbm4b:s2+s3] =	stream.linear.scatter [tilespmem:s14], [sflag:$0x8], $0x4000, $0x38;
	[tilespmem:$0x1A010] =	vst v63  }
0x8d: {  	_ =	swait.ge [sflag:s21], $0x4000  }
0x8e: {  	[sflag:s21] =	ssyncset.done $0x0  }
0x8f: {  	s5 =	simm.s32 $0xC00;
	[sflag:s21] =	ssyncadd.s32 $0xFFFFC000  }
0x90: {  	[tilespmem:s13], [sflag:$0x1] =	stream.indirect.gather [hbm4b:s4+s12], $0x40, s5, s12, $0xb8;
	[tilespmem:$0x1A010] =	vst v63  }
0x91: {  	_ =	swait.ge [sflag:s22], $0x4000  }
0x92: {  	[sflag:s22] =	ssyncset.done $0x0  }
0x93: {  	s2 =	rddreg [dreg:$0xc];
	[sflag:s22] =	ssyncadd.s32 $0xFFFFC000  }
0x94: {  	[hbm4b:s2+s3] =	stream.linear.scatter [tilespmem:s15], [sflag:$0x9], $0x4000, $0x38;
	[tilespmem:$0x1A010] =	vst v63  }
0x95: {  	_ =	swait.ge [sflag:s23], $0x4000  }
0x96: {  	[sflag:s23] =	ssyncset.done $0x0  }
0x97: {  	s5 =	simm.s32 $0xD00;
	[sflag:s23] =	ssyncadd.s32 $0xFFFFC000  }
0x98: {  	[tilespmem:s14], [sflag:$0x2] =	stream.indirect.gather [hbm4b:s4+s12], $0x40, s5, s12, $0xb8;
	[tilespmem:$0x1A010] =	vst v63  }
0x99: {  	_ =	swait.ge [sflag:s24], $0x4000  }
0x9a: {  	[sflag:s24] =	ssyncset.done $0x0  }
0x9b: {  	s2 =	rddreg [dreg:$0xd];
	[sflag:s24] =	ssyncadd.s32 $0xFFFFC000  }
0x9c: {  	[hbm4b:s2+s3] =	stream.linear.scatter [tilespmem:s16], [sflag:$0xA], $0x4000, $0x38;
	[tilespmem:$0x1A010] =	vst v63  }
0x9d: {  	_ =	swait.ge [sflag:s25], $0x4000  }
0x9e: {  	[sflag:s25] =	ssyncset.done $0x0  }
0x9f: {  	s5 =	simm.s32 $0xE00;
	[sflag:s25] =	ssyncadd.s32 $0xFFFFC000  }
0xa0: {  	[tilespmem:s15], [sflag:$0x3] =	stream.indirect.gather [hbm4b:s4+s12], $0x40, s5, s12, $0xb8;
	[tilespmem:$0x1A010] =	vst v63  }
0xa1: {  	_ =	swait.ge [sflag:s26], $0x4000  }
0xa2: {  	[sflag:s26] =	ssyncset.done $0x0  }
0xa3: {  	s2 =	rddreg [dreg:$0xe];
	[sflag:s26] =	ssyncadd.s32 $0xFFFFC000  }
0xa4: {  	[hbm4b:s2+s3] =	stream.linear.scatter [tilespmem:s17], [sflag:$0xB], $0x4000, $0x38;
	[tilespmem:$0x1A010] =	vst v63  }
0xa5: {  	_ =	swait.ge [sflag:s28], $0x4000  }
0xa6: {  	[sflag:s28] =	ssyncset.done $0x0  }
0xa7: {  	s5 =	simm.s32 $0xF00;
	[sflag:s28] =	ssyncadd.s32 $0xFFFFC000  }
0xa8: {  	[tilespmem:s16], [sflag:$0x4] =	stream.indirect.gather [hbm4b:s4+s12], $0x40, s5, s12, $0xb8;
	[tilespmem:$0x1A010] =	vst v63  }
0xa9: {  	_ =	swait.ge [sflag:s29], $0x4000  }
0xaa: {  	[sflag:s29] =	ssyncset.done $0x0  }
0xab: {  	s2 =	rddreg [dreg:$0xf];
	[sflag:s29] =	ssyncadd.s32 $0xFFFFC000  }
0xac: {  	[hbm4b:s2+s3] =	stream.linear.scatter [tilespmem:s19], [sflag:$0xC], $0x4000, $0x38;
	[tilespmem:$0x1A010] =	vst v63  }
0xad: {  	_ =	swait.ge [sflag:s30], $0x4000  }
0xae: {  	[sflag:s30] =	ssyncset.done $0x0  }
0xaf: {  	s5 =	simm.s32 $0x1000;
	[sflag:s30] =	ssyncadd.s32 $0xFFFFC000  }
0xb0: {  	[tilespmem:s17], [sflag:$0x5] =	stream.indirect.gather [hbm4b:s4+s12], $0x40, s5, s12, $0xb8;
	[tilespmem:$0x1A010] =	vst v63  }
0xb1: {  	_ =	swait.ge [sflag:s18], $0x4000  }
0xb2: {  	[sflag:s18] =	ssyncset.done $0x0  }
0xb3: {  	s2 =	rddreg [dreg:$0x10];
	[sflag:s18] =	ssyncadd.s32 $0xFFFFC000  }
0xb4: {  	[hbm4b:s2+s3] =	stream.linear.scatter [tilespmem:s13], [sflag:$0x7], $0x4000, $0x38;
	[tilespmem:$0x1A010] =	vst v63  }
0xb5: {  	_ =	swait.ge [sflag:s31], $0x4000  }
0xb6: {  	[sflag:s31] =	ssyncset.done $0x0  }
0xb7: {  	s5 =	simm.s32 $0x1100;
	[sflag:s31] =	ssyncadd.s32 $0xFFFFC000  }
0xb8: {  	[tilespmem:s19], [sflag:$0x6] =	stream.indirect.gather [hbm4b:s4+s12], $0x40, s5, s12, $0xb8;
	[tilespmem:$0x1A010] =	vst v63  }
0xb9: {  	_ =	swait.ge [sflag:s20], $0x4000  }
0xba: {  	[sflag:s20] =	ssyncset.done $0x0  }
0xbb: {  	s2 =	rddreg [dreg:$0x11];
	[sflag:s20] =	ssyncadd.s32 $0xFFFFC000  }
0xbc: {  	[hbm4b:s2+s3] =	stream.linear.scatter [tilespmem:s14], [sflag:$0x8], $0x4000, $0x38;
	[tilespmem:$0x1A010] =	vst v63  }
0xbd: {  	_ =	swait.ge [sflag:s21], $0x4000  }
0xbe: {  	[sflag:s21] =	ssyncset.done $0x0  }
0xbf: {  	s5 =	simm.s32 $0x1200;
	[sflag:s21] =	ssyncadd.s32 $0xFFFFC000  }
0xc0: {  	[tilespmem:s13], [sflag:$0x1] =	stream.indirect.gather [hbm4b:s4+s12], $0x40, s5, s12, $0xb8;
	[tilespmem:$0x1A010] =	vst v63  }
0xc1: {  	_ =	swait.ge [sflag:s22], $0x4000  }
0xc2: {  	[sflag:s22] =	ssyncset.done $0x0  }
0xc3: {  	s2 =	rddreg [dreg:$0x12];
	[sflag:s22] =	ssyncadd.s32 $0xFFFFC000  }
0xc4: {  	[hbm4b:s2+s3] =	stream.linear.scatter [tilespmem:s15], [sflag:$0x9], $0x4000, $0x38;
	[tilespmem:$0x1A010] =	vst v63  }
0xc5: {  	_ =	swait.ge [sflag:s23], $0x4000  }
0xc6: {  	[sflag:s23] =	ssyncset.done $0x0  }
0xc7: {  	s5 =	simm.s32 $0x1300;
	[sflag:s23] =	ssyncadd.s32 $0xFFFFC000  }
0xc8: {  	[tilespmem:s14], [sflag:$0x2] =	stream.indirect.gather [hbm4b:s4+s12], $0x40, s5, s12, $0xb8;
	[tilespmem:$0x1A010] =	vst v63  }
0xc9: {  	_ =	swait.ge [sflag:s24], $0x4000  }
0xca: {  	[sflag:s24] =	ssyncset.done $0x0  }
0xcb: {  	s2 =	rddreg [dreg:$0x13];
	[sflag:s24] =	ssyncadd.s32 $0xFFFFC000  }
0xcc: {  	[hbm4b:s2+s3] =	stream.linear.scatter [tilespmem:s16], [sflag:$0xA], $0x4000, $0x38;
	[tilespmem:$0x1A010] =	vst v63  }
0xcd: {  	_ =	swait.ge [sflag:s25], $0x4000  }
0xce: {  	[sflag:s25] =	ssyncset.done $0x0  }
0xcf: {  	s5 =	simm.s32 $0x1400;
	[sflag:s25] =	ssyncadd.s32 $0xFFFFC000  }
0xd0: {  	[tilespmem:s15], [sflag:$0x3] =	stream.indirect.gather [hbm4b:s4+s12], $0x40, s5, s12, $0xb8;
	[tilespmem:$0x1A010] =	vst v63  }
0xd1: {  	_ =	swait.ge [sflag:s26], $0x4000  }
0xd2: {  	[sflag:s26] =	ssyncset.done $0x0  }
0xd3: {  	s2 =	rddreg [dreg:$0x14];
	[sflag:s26] =	ssyncadd.s32 $0xFFFFC000  }
0xd4: {  	[hbm4b:s2+s3] =	stream.linear.scatter [tilespmem:s17], [sflag:$0xB], $0x4000, $0x38;
	[tilespmem:$0x1A010] =	vst v63  }
0xd5: {  	_ =	swait.ge [sflag:s28], $0x4000  }
0xd6: {  	[sflag:s28] =	ssyncset.done $0x0  }
0xd7: {  	s5 =	simm.s32 $0x1500;
	[sflag:s28] =	ssyncadd.s32 $0xFFFFC000  }
0xd8: {  	[tilespmem:s16], [sflag:$0x4] =	stream.indirect.gather [hbm4b:s4+s12], $0x40, s5, s12, $0xb8;
	[tilespmem:$0x1A010] =	vst v63  }
0xd9: {  	_ =	swait.ge [sflag:s29], $0x4000  }
0xda: {  	[sflag:s29] =	ssyncset.done $0x0  }
0xdb: {  	s2 =	rddreg [dreg:$0x15];
	[sflag:s29] =	ssyncadd.s32 $0xFFFFC000  }
0xdc: {  	[hbm4b:s2+s3] =	stream.linear.scatter [tilespmem:s19], [sflag:$0xC], $0x4000, $0x38;
	[tilespmem:$0x1A010] =	vst v63  }
0xdd: {  	_ =	swait.ge [sflag:s30], $0x4000  }
0xde: {  	[sflag:s30] =	ssyncset.done $0x0  }
0xdf: {  	s5 =	simm.s32 $0x1600;
	[sflag:s30] =	ssyncadd.s32 $0xFFFFC000  }
0xe0: {  	[tilespmem:s17], [sflag:$0x5] =	stream.indirect.gather [hbm4b:s4+s12], $0x40, s5, s12, $0xb8;
	[tilespmem:$0x1A010] =	vst v63  }
0xe1: {  	_ =	swait.ge [sflag:s18], $0x4000  }
0xe2: {  	[sflag:s18] =	ssyncset.done $0x0  }
0xe3: {  	s2 =	rddreg [dreg:$0x16];
	[sflag:s18] =	ssyncadd.s32 $0xFFFFC000  }
0xe4: {  	[hbm4b:s2+s3] =	stream.linear.scatter [tilespmem:s13], [sflag:$0x7], $0x4000, $0x38;
	[tilespmem:$0x1A010] =	vst v63  }
0xe5: {  	_ =	swait.ge [sflag:s31], $0x4000  }
0xe6: {  	[sflag:s31] =	ssyncset.done $0x0  }
0xe7: {  	s5 =	simm.s32 $0x1700;
	[sflag:s31] =	ssyncadd.s32 $0xFFFFC000  }
0xe8: {  	[tilespmem:s19], [sflag:$0x6] =	stream.indirect.gather [hbm4b:s4+s12], $0x40, s5, s12, $0xb8;
	[tilespmem:$0x1A010] =	vst v63  }
0xe9: {  	_ =	swait.ge [sflag:s20], $0x4000  }
0xea: {  	[sflag:s20] =	ssyncset.done $0x0  }
0xeb: {  	s2 =	rddreg [dreg:$0x18];
	[sflag:s20] =	ssyncadd.s32 $0xFFFFC000  }
0xec: {  	[hbm4b:s2+s3] =	stream.linear.scatter [tilespmem:s14], [sflag:$0x8], $0x4000, $0x38;
	[tilespmem:$0x1A010] =	vst v63  }
0xed: {  	_ =	swait.ge [sflag:s21], $0x4000  }
0xee: {  	[sflag:s21] =	ssyncset.done $0x0  }
0xef: {  	s5 =	simm.s32 $0x1800;
	[sflag:s21] =	ssyncadd.s32 $0xFFFFC000  }
0xf0: {  	[tilespmem:s13], [sflag:$0x1] =	stream.indirect.gather [hbm4b:s4+s12], $0x40, s5, s12, $0xb8;
	[tilespmem:$0x1A010] =	vst v63  }
0xf1: {  	_ =	swait.ge [sflag:s22], $0x4000  }
0xf2: {  	[sflag:s22] =	ssyncset.done $0x0  }
0xf3: {  	s2 =	rddreg [dreg:$0x19];
	[sflag:s22] =	ssyncadd.s32 $0xFFFFC000  }
0xf4: {  	[hbm4b:s2+s3] =	stream.linear.scatter [tilespmem:s15], [sflag:$0x9], $0x4000, $0x38;
	[tilespmem:$0x1A010] =	vst v63  }
0xf5: {  	_ =	swait.ge [sflag:s23], $0x4000  }
0xf6: {  	[sflag:s23] =	ssyncset.done $0x0  }
0xf7: {  	s5 =	simm.s32 $0x1900;
	[sflag:s23] =	ssyncadd.s32 $0xFFFFC000  }
0xf8: {  	[tilespmem:s14], [sflag:$0x2] =	stream.indirect.gather [hbm4b:s4+s12], $0x40, s5, s12, $0xb8;
	[tilespmem:$0x1A010] =	vst v63  }
0xf9: {  	_ =	swait.ge [sflag:s24], $0x4000  }
0xfa: {  	[sflag:s24] =	ssyncset.done $0x0  }
0xfb: {  	s2 =	rddreg [dreg:$0x1a];
	[sflag:s24] =	ssyncadd.s32 $0xFFFFC000  }
0xfc: {  	[hbm4b:s2+s3] =	stream.linear.scatter [tilespmem:s16], [sflag:$0xA], $0x4000, $0x38;
	[tilespmem:$0x1A010] =	vst v63  }
0xfd: {  	_ =	swait.ge [sflag:s25], $0x4000  }
0xfe: {  	[sflag:s25] =	ssyncset.done $0x0  }
0xff: {  	s5 =	simm.s32 $0x1A00;
	[sflag:s25] =	ssyncadd.s32 $0xFFFFC000  }
0x100: {  	[tilespmem:s15], [sflag:$0x3] =	stream.indirect.gather [hbm4b:s4+s12], $0x40, s5, s12, $0xb8;
	[tilespmem:$0x1A010] =	vst v63  }
0x101: {  	_ =	swait.ge [sflag:s26], $0x4000  }
0x102: {  	[sflag:s26] =	ssyncset.done $0x0  }
0x103: {  	s2 =	rddreg [dreg:$0x1b];
	[sflag:s26] =	ssyncadd.s32 $0xFFFFC000  }
0x104: {  	[hbm4b:s2+s3] =	stream.linear.scatter [tilespmem:s17], [sflag:$0xB], $0x4000, $0x38;
	[tilespmem:$0x1A010] =	vst v63  }
0x105: {  	_ =	swait.ge [sflag:s28], $0x4000  }
0x106: {  	[sflag:s28] =	ssyncset.done $0x0  }
0x107: {  	s5 =	simm.s32 $0x1B00;
	[sflag:s28] =	ssyncadd.s32 $0xFFFFC000  }
0x108: {  	[tilespmem:s16], [sflag:$0x4] =	stream.indirect.gather [hbm4b:s4+s12], $0x40, s5, s12, $0xb8;
	[tilespmem:$0x1A010] =	vst v63  }
0x109: {  	_ =	swait.ge [sflag:s29], $0x4000  }
0x10a: {  	[sflag:s29] =	ssyncset.done $0x0  }
0x10b: {  	s2 =	rddreg [dreg:$0x1c];
	[sflag:s29] =	ssyncadd.s32 $0xFFFFC000  }
0x10c: {  	[hbm4b:s2+s3] =	stream.linear.scatter [tilespmem:s19], [sflag:$0xC], $0x4000, $0x38;
	[tilespmem:$0x1A010] =	vst v63  }
0x10d: {  	_ =	swait.ge [sflag:s30], $0x4000  }
0x10e: {  	[sflag:s30] =	ssyncset.done $0x0  }
0x10f: {  	s5 =	simm.s32 $0x1C00;
	[sflag:s30] =	ssyncadd.s32 $0xFFFFC000  }
0x110: {  	[tilespmem:s17], [sflag:$0x5] =	stream.indirect.gather [hbm4b:s4+s12], $0x40, s5, s12, $0xb8;
	[tilespmem:$0x1A010] =	vst v63  }
0x111: {  	_ =	swait.ge [sflag:s18], $0x4000  }
0x112: {  	[sflag:s18] =	ssyncset.done $0x0  }
0x113: {  	s2 =	rddreg [dreg:$0x1d];
	[sflag:s18] =	ssyncadd.s32 $0xFFFFC000  }
0x114: {  	[hbm4b:s2+s3] =	stream.linear.scatter [tilespmem:s13], [sflag:$0x7], $0x4000, $0x38;
	[tilespmem:$0x1A010] =	vst v63  }
0x115: {  	_ =	swait.ge [sflag:s31], $0x4000  }
0x116: {  	[sflag:s31] =	ssyncset.done $0x0  }
0x117: {  	s5 =	simm.s32 $0x1D00;
	[sflag:s31] =	ssyncadd.s32 $0xFFFFC000  }
0x118: {  	[tilespmem:s19], [sflag:$0x6] =	stream.indirect.gather [hbm4b:s4+s12], $0x40, s5, s12, $0xb8;
	[tilespmem:$0x1A010] =	vst v63  }
0x119: {  	_ =	swait.ge [sflag:s20], $0x4000  }
0x11a: {  	[sflag:s20] =	ssyncset.done $0x0  }
0x11b: {  	s2 =	rddreg [dreg:$0x1e];
	[sflag:s20] =	ssyncadd.s32 $0xFFFFC000  }
0x11c: {  	[hbm4b:s2+s3] =	stream.linear.scatter [tilespmem:s14], [sflag:$0x8], $0x4000, $0x38;
	[tilespmem:$0x1A010] =	vst v63  }
0x11d: {  	_ =	swait.ge [sflag:s21], $0x4000  }
0x11e: {  	[sflag:s21] =	ssyncset.done $0x0  }
0x11f: {  	s5 =	simm.s32 $0x1E00;
	[sflag:s21] =	ssyncadd.s32 $0xFFFFC000  }
0x120: {  	[tilespmem:s13], [sflag:$0x1] =	stream.indirect.gather [hbm4b:s4+s12], $0x40, s5, s12, $0xb8;
	[tilespmem:$0x1A010] =	vst v63  }
0x121: {  	_ =	swait.ge [sflag:s22], $0x4000  }
0x122: {  	[sflag:s22] =	ssyncset.done $0x0  }
0x123: {  	s2 =	rddreg [dreg:$0x1f];
	[sflag:s22] =	ssyncadd.s32 $0xFFFFC000  }
0x124: {  	[hbm4b:s2+s3] =	stream.linear.scatter [tilespmem:s15], [sflag:$0x9], $0x4000, $0x38;
	[tilespmem:$0x1A010] =	vst v63  }
0x125: {  	_ =	swait.ge [sflag:s23], $0x4000  }
0x126: {  	[sflag:s23] =	ssyncset.done $0x0  }
0x127: {  	s5 =	simm.s32 $0x1F00;
	[sflag:s23] =	ssyncadd.s32 $0xFFFFC000  }
0x128: {  	[tilespmem:s14], [sflag:$0x2] =	stream.indirect.gather [hbm4b:s4+s12], $0x40, s5, s12, $0xb8;
	[tilespmem:$0x1A010] =	vst v63  }
0x129: {  	_ =	swait.ge [sflag:s24], $0x4000  }
0x12a: {  	s2 =	sld [smem:$0x7FD]  }
0x12b: {  	[sflag:s24] =	ssyncset.done $0x0  }
0x12c: {  	[sflag:s24] =	ssyncadd.s32 $0xFFFFC000  }
0x12d: {  	[hbm4b:s2+s3] =	stream.linear.scatter [tilespmem:s16], [sflag:$0xA], $0x4000, $0x38;
	[tilespmem:$0x1A010] =	vst v63  }
0x12e: {  	_ =	swait.ge [sflag:s26], $0x4000  }
0x12f: {  	[sflag:s26] =	ssyncset.done $0x0  }
0x130: {  	[sflag:s26] =	ssyncadd.s32 $0xFFFFC000  }
0x131: {  	[hbm4b:s7+s3] =	stream.linear.scatter [tilespmem:s17], [sflag:$0xB], $0x4000, $0x38;
	[tilespmem:$0x1A010] =	vst v63  }
0x132: {  	_ =	swait.ge [sflag:s29], $0x4000  }
0x133: {  	[sflag:s29] =	ssyncset.done $0x0  }
0x134: {  	[sflag:s29] =	ssyncadd.s32 $0xFFFFC000  }
0x135: {  	[hbm4b:s8+s3] =	stream.linear.scatter [tilespmem:s19], [sflag:$0xC], $0x4000, $0x38;
	[tilespmem:$0x1A010] =	vst v63  }
0x136: {  	_ =	swait.ge [sflag:s18], $0x4000  }
0x137: {  	[sflag:s18] =	ssyncset.done $0x0  }
0x138: {  	[sflag:s18] =	ssyncadd.s32 $0xFFFFC000  }
0x139: {  	[hbm4b:s9+s3] =	stream.linear.scatter [tilespmem:s13], [sflag:$0x7], $0x4000, $0x38;
	[tilespmem:$0x1A010] =	vst v63  }
0x13a: {  	_ =	swait.ge [sflag:s20], $0x4000  }
0x13b: {  	[sflag:s20] =	ssyncset.done $0x0  }
0x13c: {  	[sflag:s20] =	ssyncadd.s32 $0xFFFFC000  }
0x13d: {  	[hbm4b:s10+s3] =	stream.linear.scatter [tilespmem:s14], [sflag:$0x8], $0x4000, $0x38;
	[tilespmem:$0x1A010] =	vst v63  }
0x13e: {  	_ =	swait.ge [sflag:s25], $0x4000  }
0x13f: {  	[sflag:s25] =	ssyncset.done $0x0  }
0x140: {  	[sflag:s25] =	ssyncadd.s32 $0xFFFFC000  }
0x141: {  	_ =	swait.ge [sflag:s28], $0x4000  }
0x142: {  	[sflag:s28] =	ssyncset.done $0x0  }
0x143: {  	[sflag:s28] =	ssyncadd.s32 $0xFFFFC000  }
0x144: {  	_ =	swait.ge [sflag:s30], $0x4000  }
0x145: {  	[sflag:s30] =	ssyncset.done $0x0  }
0x146: {  	[sflag:s30] =	ssyncadd.s32 $0xFFFFC000  }
0x147: {  	_ =	swait.ge [sflag:s31], $0x4000  }
0x148: {  	[sflag:s31] =	ssyncset.done $0x0  }
0x149: {  	[sflag:s31] =	ssyncadd.s32 $0xFFFFC000  }
0x14a: {  	_ =	swait.ge [sflag:s21], $0x4000  }
0x14b: {  	[sflag:s21] =	ssyncset.done $0x0  }
0x14c: {  	[sflag:s21] =	ssyncadd.s32 $0xFFFFC000  }
0x14d: {  	_ =	swait.ge [sflag:s23], $0x4000  }
0x14e: {  	s1 =	sadd.s32 $0x1, s1;
	s5 =	rddreg [dreg:$0x17]  }
0x14f: {  	p0 =	sne.s32 s1, s5  }
.Ltmp1:
0x150: {  	_ = 	snop;
	(pc) =	sbr.rel @p0 .LBB2_1-.Ltmp1, $3  }
0x151: {  	_ =	sdelay $0x1  }
0x152: {  	[sflag:s23] =	ssyncset.done $0x0  }
0x153: {  	[sflag:s23] =	ssyncadd.s32 $0xFFFFC000  }
0x154: {  	_ =	sfence.sel $0x180000  }
0x155: {  	[bflag:$0x0] =	sbarrier.arrive $0xFFFF  }
0x156: {  	_ =	strace $0x90000047  }
0x157: {  	s0 =	stileid.u32;
	[bflag:$0x2] =	sbarrier.arrive $0xFFFF  }
0x158: {  	p0 =	sne.s32 s0, $0x0;
	s0 =	rddreg [dreg:$0x3]  }
0x159: {  	s0 =	sadd.s32 @!p0 $0x100000, s0  }
0x15a: {  	[sflag:s0] =	ssyncadd.tile.s32 @!p0 $0x1;
	_ =	shalt  }
.Lfunc_end2:
_tile_overlayer_lowered:
.L_overlay_start_2:
0x15b: {  	(tag) =	ssettag $0x2  }
0x15c: {  	s0 =	rddreg [dreg:$0x0];
	s2 =	stileid.u32  }
0x15d: {  	s1 =	rddreg [dreg:$0x1];
	p0 =	sne.s32 s2, $0x0  }
0x15e: {  	s3 =	rddreg [dreg:$0x2];
	[bflag:$0x3] =	sbarrier.arrive $0xFFFF;
	s2 =	simm.s32 @!p0 $0x1C0D  }
0x15f: {  	[timem:s3], [sflag:s2] =	dma.local @!p0 [hbm:s0], s1  }
0x160: {  	s0 =	simm.s32 @!p0 $0xD  }
0x161: {  	_ =	swait.ge @!p0 [sflag:s0], s1  }
0x162: {  	s1 =	ssub.s32 @!p0 $0x0, s1;
	[sflag:s0] =	ssyncset.done @!p0 $0x0  }
0x163: {  	[sflag:s0] =	ssyncadd.s32 @!p0 s1  }
0x164: {  	[bflag:$0x3] =	sbarrier.arrive $0xFFFF  }
0x165: {  	_ =	shalt  }

// kernel: sparse-core-data-format-call.cloned.1.call-start
scs
called_computation_lowered:
.L_overlay_start_0:
0x0: {  	s2 =	sld [smem:$0x3FD9]  }
0x1: {  	s3 =	sld [smem:$0x3FFE];
	_ =	sdelay $0x1  }
0x2: {  	s1 =	srdreg.scid  }
0x3: {  	s0 =	sand.u32 $0x1, s1  }
0x4: {  	s18 =	sshll.u32 s0, $0xA;
	s2 =	sadd.s32 s3, s2  }
0x5: {  	s2 =	sadd.s32 s2, s18  }
0x6: {  	[smem:$0x3FC5] =	sst s2  }
0x7: {  	_ = 	snop  }
0x8: {  	s2 =	sld [smem:$0x3FD0];
	(tm) =	ssettm $0x1  }
0x9: {  	s19 =	sld [smem:$0x3FFB];
	_ =	sdelay $0x3  }
0xa: {  	_ =	strace s19  }
0xb: {  	s3 =	sld [smem:$0x3FFC];
	_ =	sdelay $0x3  }
0xc: {  	_ =	strace s3  }
0xd: {  	s3 =	sld [smem:$0x3FFD];
	_ =	sdelay $0x3  }
0xe: {  	_ =	strace s3  }
0xf: {  	_ =	strace $0x8FFFFFFF  }
0x10: {  	s20 =	sld [smem:$0x3FDB];
	_ =	sdelay $0x1  }
0x11: {  	s4 =	simm.s32 $_scs_section_size  }
0x12: {  	s5 =	simm.s32 $_size__tile_overlayer_lowered;
	s6 =	simm.s32 $_tile_overlayer_lowered  }
0x13: {  	s23 =	simm.s32 $0x1BFF;
	s22 =	sshll.u32 s6, $0x1;
	s3 =	sadd.s32 s4, s20  }
0x14: {  	s7 =	simm.s32 $0x0;
	s21 =	sshll.u32 s5, $0x1;
	s5 =	sadd.s32 s22, s3  }
0x15: {  	[timem:s7], [sflag:s23] =	dma.local [hbm:s5], s21  }
0x16: {  	_ =	swait.ge [sflag:s23], s21  }
0x17: {  	s4 =	ssub.s32 $0x0, s21;
	[sflag:s23] =	ssyncset.done $0x0  }
0x18: {  	[sflag:s23] =	ssyncadd.s32 s4;
	_ =	sdelay $0x1  }
0x19: {  	s24 =	simm.s32 $0x1B8B  }
0x1a: {  	_ =	swait.ge [sflag:s24], $0x1  }
0x1b: {  	[sflag:s24] =	ssyncset.done $0x0  }
0x1c: {  	s26 =	simm.s32 $0x1B8E;
	s25 =	sld [smem:$0x3FFE];
	[sflag:s24] =	ssyncadd.s32 $0xFFFFFFFF  }
0x1d: {  	s27 =	simm.s32 $execute0_lowered;
	[smem:$0x3FD2] =	sst s26  }
0x1e: {  	s5 =	sshll.u32 s27, $0x1;
	_ =	strace $0x80000049;
	[dreg:$0x1] =	wrdreg $0xFFFFFFFF  }
0x1f: {  	s28 =	simm.s32 $_size_execute0_lowered;
	s3 =	sadd.s32 s3, s5;
	[dreg:$0x0] =	wrdreg $0x0  }
0x20: {  	s5 =	sshll.u32 s28, $0x1;
	[dreg:$0x2] =	wrdreg s3  }
0x21: {  	[dreg:$0x3] =	wrdreg s5  }
0x22: {  	[dreg:$0x4] =	wrdreg $0xC0  }
0x23: {  	_ =	task [dreg:s7], $0x5FFFF  }
0x24: {  	[dreg:$0x1] =	wrdreg $0xFFFFFFFF  }
0x25: {  	[dreg:$0x0] =	wrdreg $0x60  }
0x26: {  	[dreg:$0x2] =	wrdreg s25  }
0x27: {  	[dreg:$0x3] =	wrdreg s2  }
0x28: {  	[dreg:$0x4] =	wrdreg $0x9  }
0x29: {  	_ =	task.clear_ibuf [dreg:s7], $0x5FFFF;
	_ =	strace $0x90000049  }
0x2a: {  	s29 =	simm.s32 $0x9;
	_ =	strace $0x8000004B  }
0x2b: {  	_ =	swait.ge [sflag:s29], $0x1  }
0x2c: {  	[sflag:s29] =	ssyncadd.s32 $0xFFFFFFFF  }
0x2d: {  	_ =	strace $0x9000004B  }
0x2e: {  	_ =	sfence  }
0x2f: {  	s30 =	sld [smem:$0x0];
	_ =	sdelay $0x2  }
0x30: {  	s31 =	sshll.u32 s1, $0xD;
	s1 =	sshrl.u32 s1, $0x2  }
0x31: {  	s3 =	sand.u32 $0x4000, s31;
	s1 =	sadd.s32 s1, s30  }
0x32: {  	s0 =	sor.u32 s3, s0;
	s1 =	sshll.u32 s1, $0x11  }
0x33: {  	s0 =	sor.u32 s1, s0  }
0x34: {  	s0 =	sadd.s32 $0x8F2B, s0  }
0x35: {  	[sflag:s0] =	ssyncadd.remote.s32 $0x1  }
0x36: {  	_ =	sfence.sel $0xFFFF  }
0x37: {  	[dreg:$0x0] =	wrdreg $0xFFFFFFFF;
	(pc) =	sbr.abs _section_cstart, $3  }
0x38: {  	[dreg:$0x1] =	wrdreg $0xFFFFFFFF  }
0x39: {  	_ =	task.clear_ibuf [dreg:s7], $0x2FFFF;
	_ =	strace $0x9FFFFFFF  }
0x3a: {  	(tm) =	ssettm $0x7FFFFFFF  }
0x3b: {  	_ =	shalt  }
tec
execute0_lowered:
.L_overlay_start_1:
0x0: {  	(tag) =	ssettag $0x1  }
0x1: {  	s0 =	stileid.u32;
	s4 =	rddreg [dreg:$0x0]  }
0x2: {  	s1 =	srdreg.scid;
	s3 =	rddreg [dreg:$0x1];
	s7 =	simm.s32 $0x1  }
0x3: {  	s31 =	simm.s32 $0x2;
	s2 =	sshll.u32 s0, $0x5;
	s1 =	sshll.u32 s1, $0x9  }
0x4: {  	s14 =	simm.s32 $0x0;
	s9 =	simm.s32 $0x8000;
	s1 =	sor.u32 s2, s1  }
0x5: {  	s15 =	simm.s32 $0x0;
	s16 =	simm.s32 $0x0;
	s2 =	sand.u32 $0x380, s1  }
0x6: {  	s10 =	simm.s32 $0x0;
	s13 =	simm.s32 $0x0;
	s5 =	ssub.s32 $0x1000, s2  }
0x7: {  	s4 =	sadd.s32 $0xA00, s4;
	s1 =	rddreg [dreg:$0x2];
	s6 =	sand.u32 $0x380, s5  }
.Ltmp0:
0x8: {  	_ =	strace $0x8000004A;
	p0 =	sne.s32 s6, $0x0;
	(pc) =	sbr.rel .LBB1_1-.Ltmp0, $4  }
0x9: {  	s11 =	smov.u32 s2;
	s8 =	sshrl.u32 s5, $0xA;
	s7 =	simm.s32 @!p0 $0x0  }
0xa: {  	s5 =	sand.u32 $0x3, s0;
	s6 =	simm.s32 $0x1;
	s7 =	sadd.s32 s7, s8  }
0xb: {  	s12 =	smov.u32 s5;
	[sflag:s6] =	ssyncpa.u1 $0x0;
	s7 =	sshll.u32 s7, $0x4  }
0xc: {  	p0 =	por $0x0, $0x0;
	[sflag:s31] =	ssyncpa.u1 $0x0;
	s8 =	sor.u32 $0x1, s7  }
.LBB1_4:
0xd: {  	s19 =	sshll.u32 s15, $0x3  }
0xe: {  	s20 =	sand.u32 $0x78, s15;
	s16 =	sshll.u32 s16, $0x13;
	s30 =	sand.u32 $0x7E00, s15  }
0xf: {  	s14 =	sshll.u32 s14, $0xF;
	s19 =	sand.u32 $0xC00, s19;
	s16 =	sadd.s32 s3, s16  }
0x10: {  	[tilespmem:s18+$0x810 ss:$0x81] =	vst.msk $0xffff, v2;
	s31 =	sand.u32 $0x7, s15;
	s19 =	sor.u32 s20, s19;
	s16 =	sadd.s32 s30, s16  }
0x11: {  	[tilespmem:s18+$0x1020 ss:$0x81] =	vst.msk $0xffff, v0;
	s15 =	sshll.u32 s31, $0x12;
	s19 =	sshrl.u32 s19, $0x3;
	s14 =	sadd.s32 s14, s16  }
0x12: {  	[tilespmem:s18+$0x0 ss:$0x81] =	vst.msk $0xffff, v1;
	s15 =	sor.u32 $0x400, s15;
	s14 =	sadd.s32 s19, s14  }
0x13: {  	[hbm4b:s14+s15] =	stream.strided.scatter [tilespmem:s17], [sflag:$0x2], $0x2000, s9, s15, $0x20;
	[tilespmem:$0x8080] =	vst v63  }
.LBB1_5:
0x14: {  	s17 =	sadd.s32 $0x1, s10  }
0x15: {  	s14 =	sadd.s32 $0x400, s11;
	s18 =	smov.u32 s11;
	p2 =	sgt.s32 s17, $0xF  }
0x16: {  	s18 =	smov.u32 @p2 s14  }
0x17: {  	s20 =	smov.u32 s12;
	s14 =	sadd.s32 $0x4, s12;
	p3 =	sgt.s32 s18, $0xFFF  }
0x18: {  	s20 =	smov.u32 @p3 s14  }
0x19: {  	s17 =	simm.s32 @p2 $0x0;
	p2 =	sgt.s32 s20, $0x3  }
0x1a: {  	p1 =	slt.u32 s13, $0x2;
	s20 =	smov.u32 @p2 s5;
	p2 =	sne.s32 s13, s8  }
.Ltmp1:
0x1b: {  	s19 =	simm.s32 @!p1 $0x2;
	(pc) =	sbr.rel @!p2 .LBB1_6-.Ltmp1, $4  }
0x1c: {  	s15 =	smov.u32 s11;
	s16 =	smov.u32 s12;
	_ =	swait.ge @!p1 [sflag:s19], $0x2000  }
0x1d: {  	p0 =	por !p0, !p0;
	[sflag:s19] =	ssyncset.done @!p1 $0x0;
	s18 =	smov.u32 @p3 s2  }
0x1e: {  	s14 =	smov.u32 s10;
	[sflag:s19] =	ssyncadd.s32 @!p1 $0xFFFFE000;
	s10 =	smov.u32 s17  }
0x1f: {  	s11 =	smov.u32 s18;
	s13 =	sadd.s32 $0x1, s13;
	s12 =	smov.u32 s20  }
.LBB1_1:
0x20: {  	p1 =	sge.u32 s13, s7;
	s31 =	sadd.s32 $0xFFFFFFFF, s13  }
0x21: {  	s17 =	sxor.u32 @!p1 $0xFFFFFFFF, s13;
	s18 =	sshll.u32 @!p1 s12, $0x14;
	s19 =	sshll.u32 @!p1 s11, $0x8  }
0x22: {  	s20 =	sshll.u32 @!p1 s10, $0x4;
	s17 =	sshll.u32 @!p1 s17, $0xD;
	s18 =	sadd.s32 @!p1 s4, s18  }
0x23: {  	s20 =	sand.u32 @!p1 $0xF0, s20;
	s17 =	sand.u32 @!p1 $0x2000, s17;
	s18 =	sadd.s32 @!p1 s19, s18  }
0x24: {  	s19 =	simm.s32 @!p1 $0x40;
	s18 =	sadd.s32 @!p1 s20, s18;
	s20 =	simm.s32 @!p1 $0x800  }
0x25: {  	[tilespmem:s17], [sflag:$0x1] =	stream.strided.gather @!p1 [hbm4b:s18+s19], $0x2000, s20, s19, $0x38;
	[tilespmem:$0x8080] =	vst v63  }
0x26: {  	p1 =	sge.u32 s31, s7  }
.Ltmp2:
0x27: {  	_ = 	snop;
	(pc) =	sbr.rel @p1 .LBB1_5-.Ltmp2, $1  }
0x28: {  	_ =	sdelay $0x3  }
0x29: {  	s17 =	simm.s32 $0x1  }
0x2a: {  	_ =	swait.ge [sflag:s6], $0x2000;
	s17 =	simm.s32 @!p0 $0x0  }
0x2b: {  	[sflag:s6] =	ssyncset.done $0x0;
	s18 =	sshll.u32 s17, $0xD  }
0x2c: {  	[sflag:s6] =	ssyncadd.s32 $0xFFFFE000;
	s21 =	sor.u32 $0x20, s18  }
0x2d: {  	s17 =	smul.u32 $0x8100, s17;
	v3 =	vld [tilespmem:s21+$0x10]  }
0x2e: {  	s30 =	sand.u32 $0x1, s13;
	v2 =	vld [tilespmem:s21+$0xFFFFFFF0]  }
0x2f: {  	s18 =	smul.u32 $0x8100, s30;
	s17 =	sshrl.u32 s17, $0x2;
	v0 =	vld [tilespmem:s21+$0x0]  }
0x30: {  	v1 =	vld [tilespmem:s21+$0xFFFFFFE0];
	s19 =	sor.u32 $0x4000, s17  }
0x31: {  	s31 =	sshrl.u32 s18, $0x2;
	s18 =	sadd.s32 $0x0, s19  }
0x32: {  	s20 =	simm.s32 $0x4;
	s21 =	sadd.s32 $0x40, s21;
	s17 =	sor.u32 $0x4000, s31;
	[tilespmem:s18+$0x1830 ss:$0x81] =	vst.msk $0xffff, v3  }
.LBB1_3:
0x33: {  	v3 =	vld [tilespmem:s21+$0x10];
	p1 =	sne.s32 s20, $0x1FC;
	[tilespmem:s18+$0x810 ss:$0x81] =	vst.msk $0xffff, v2;
	s22 =	smov.u32 s20;
	s20 =	sadd.s32 $0x4, s20  }
.Ltmp3:
0x34: {  	v2 =	vld [tilespmem:s21+$0xFFFFFFF0];
	[tilespmem:s18+$0x1020 ss:$0x81] =	vst.msk $0xffff, v0;
	(pc) =	sbr.rel @p1 .LBB1_3-.Ltmp3, $4  }
0x35: {  	v0 =	vld [tilespmem:s21+$0x0];
	[tilespmem:s18+$0x0 ss:$0x81] =	vst.msk $0xffff, v1  }
0x36: {  	s18 =	sshra.s32 s22, $0x2;
	v1 =	vld [tilespmem:s21+$0xFFFFFFE0]  }
0x37: {  	s18 =	sadd.s32 s18, s19  }
0x38: {  	s21 =	sadd.s32 $0x40, s21;
	[tilespmem:s18+$0x1830 ss:$0x81] =	vst.msk $0xffff, v3  }
.Ltmp4:
0x39: {  	_ = 	snop;
	(pc) =	sbr.rel .LBB1_4-.Ltmp4, $1  }
0x3a: {  	_ =	sdelay $0x3  }
.LBB1_6:
0x3b: {  	_ =	sfence.sel $0x180000  }
0x3c: {  	s2 =	simm.s32 $0x1;
	[bflag:$0x0] =	sbarrier.arrive $0xFFFF  }
0x3d: {  	s31 =	simm.s32 $0x2;
	[sflag:s2] =	ssyncpa.u1 $0x1  }
0x3e: {  	[sflag:s31] =	ssyncpa.u1 $0x1  }
0x3f: {  	p0 =	sne.s32 s0, $0x0;
	_ =	strace $0x9000004A  }
0x40: {  	s0 =	sadd.s32 @!p0 $0x100000, s1;
	[bflag:$0x2] =	sbarrier.arrive $0xFFFF  }
0x41: {  	[sflag:s0] =	ssyncadd.tile.s32 @!p0 $0x1;
	_ =	shalt  }
.Lfunc_end1:
_tile_overlayer_lowered:
.L_overlay_start_2:
0x42: {  	(tag) =	ssettag $0x2  }
0x43: {  	s0 =	rddreg [dreg:$0x0];
	s2 =	stileid.u32  }
0x44: {  	s1 =	rddreg [dreg:$0x1];
	p0 =	sne.s32 s2, $0x0  }
0x45: {  	s3 =	rddreg [dreg:$0x2];
	[bflag:$0x3] =	sbarrier.arrive $0xFFFF;
	s2 =	simm.s32 @!p0 $0x1C01  }
0x46: {  	[timem:s3], [sflag:s2] =	dma.local @!p0 [hbm:s0], s1  }
0x47: {  	s0 =	simm.s32 @!p0 $0x1  }
0x48: {  	_ =	swait.ge @!p0 [sflag:s0], s1  }
0x49: {  	s1 =	ssub.s32 @!p0 $0x0, s1;
	[sflag:s0] =	ssyncset.done @!p0 $0x0  }
0x4a: {  	[sflag:s0] =	ssyncadd.s32 @!p0 s1  }
0x4b: {  	[bflag:$0x3] =	sbarrier.arrive $0xFFFF  }
0x4c: {  	_ =	shalt  }

</sc_bundles>
